<compile_context>
chip_gen: v7x
topology: tpu7x:2x2x1
jax: 0.10.2.dev20260603
libtpu: 0.0.44.dev20260713+nightly
codegen_flags: <defaults>
</compile_context>

<pallas_src>
import dataclasses

import jax
import jax.numpy as jnp
from jax import lax
from jax.experimental import pallas as pl
from jax.experimental.pallas import tpu as pltpu
from jax.experimental.pallas import tpu_sc as plsc

N = 10000
D = 128
NROWS = 10240
TRASH = N
NC, NS = 2, 16
NW = NC * NS
B = 512
BS = 256
BD = 128
RPS = NROWS // NS
f32 = jnp.float32


def _z():
    return jnp.int32(0)


_mesh = plsc.VectorSubcoreMesh(core_axis_name="c", subcore_axis_name="s")

_sc_params = pltpu.CompilerParams()
if "needs_layout_passes" in pltpu.CompilerParams.__dataclass_fields__:
    _sc_params = dataclasses.replace(_sc_params, needs_layout_passes=False)


def _sc_degree(dst_pad, ep):
    epw = ep // NW
    nb = epw // BD

    @pl.kernel(out_type=jax.ShapeDtypeStruct((NW, NROWS), f32),
               mesh=_mesh,
               compiler_params=_sc_params,
               scratch_types=[pltpu.VMEM((epw,), jnp.int32),
                              pltpu.VMEM((NROWS,), f32),
                              pltpu.SemaphoreType.DMA])
    def deg_kernel(dst_hbm, out_hbm, idx_v, deg_v, sem):
        cid = lax.axis_index("c").astype(jnp.int32)
        sid = lax.axis_index("s").astype(jnp.int32)
        wid = cid * jnp.int32(NS) + sid
        zeros16 = jnp.zeros((16,), f32)
        ones16 = jnp.ones((16,), f32)
        base = wid * jnp.int32(epw)

        idx_copy = pltpu.make_async_copy(dst_hbm.at[pl.ds(base, epw)],
                                         idx_v, sem)
        idx_copy.start()

        @pl.loop(jnp.int32(0), jnp.int32(NROWS // 16))
        def _(i):
            i = jnp.asarray(i, jnp.int32)
            deg_v[pl.ds(i * jnp.int32(16), 16)] = zeros16

        idx_copy.wait()

        @pl.loop(jnp.int32(0), jnp.int32(nb))
        def _(b):
            b = jnp.asarray(b, jnp.int32)
            boff = b * jnp.int32(BD)
            for j in range(BD // 16):
                idx = idx_v[pl.ds(boff + jnp.int32(j * 16), 16)]
                plsc.addupdate_scatter(deg_v, [idx], ones16)

        pltpu.sync_copy(deg_v, out_hbm.at[wid])

    return deg_kernel(dst_pad)


def _sc_edge_agg(hs, src2, dst2, ep):
    epw = ep // NW
    H = 2
    eph = epw // H
    nbh = eph // BD
    npair = nbh // 2
    assert npair >= 1 and nbh % 2 == 0 and RPS % BD == 0

    @pl.kernel(out_type=jax.ShapeDtypeStruct((NC, NROWS, D), f32),
               mesh=_mesh,
               scratch_types=[pltpu.VMEM((eph,), jnp.int32),
                              pltpu.VMEM((nbh, BD), jnp.int32),
                              pltpu.VMEM((2, BD, D), f32),
                              pltpu.VMEM_SHARED((NROWS, D), f32),
                              pltpu.SemaphoreType.DMA,
                              pltpu.SemaphoreType.DMA,
                              pltpu.SemaphoreType.DMA])
    def agg_kernel(hs_hbm, src_hbm, dst_hbm, out_hbm,
                   src_v, dst_v, rows_v, acc_sh, isem, gsem0, gsem1):
        cid = lax.axis_index("c").astype(jnp.int32)
        sid = lax.axis_index("s").astype(jnp.int32)
        wid = cid * jnp.int32(NS) + sid
        r0 = sid * jnp.int32(RPS)
        z16 = jnp.zeros((16,), f32)

        def gath(batch, buf, sem):
            idx = src_v.at[pl.ds(batch * jnp.int32(BD), BD)]
            return pltpu.make_async_copy(hs_hbm.at[idx],
                                         rows_v.at[jnp.int32(buf)], sem)

        def scat(batch, buf):
            pltpu.sync_copy(rows_v.at[jnp.int32(buf)],
                            acc_sh.at[dst_v.at[batch]], add=True)

        @pl.loop(jnp.int32(0), jnp.int32(BD))
        def _(r):
            r = jnp.asarray(r, jnp.int32)
            for c in range(D // 16):
                rows_v[jnp.int32(0), r, pl.ds(jnp.int32(c * 16), 16)] = z16

        for k in range(RPS // BD):
            pltpu.sync_copy(rows_v.at[jnp.int32(0)],
                            acc_sh.at[pl.ds(r0 + jnp.int32(k * BD), BD)])
        plsc.subcore_barrier()

        for h in range(H):
            src_cp = pltpu.make_async_copy(
                src_hbm.at[wid, pl.ds(jnp.int32(h * eph), eph)],
                src_v, isem)
            dst_cp = pltpu.make_async_copy(
                dst_hbm.at[wid, pl.ds(jnp.int32(h * nbh), nbh)],
                dst_v, isem)
            src_cp.start()
            dst_cp.start()
            src_cp.wait()
            dst_cp.wait()

            gath(jnp.int32(0), 0, gsem0).start()

            @pl.loop(jnp.int32(0), jnp.int32(npair - 1))
            def _(p):
                j0 = jnp.asarray(p, jnp.int32) * jnp.int32(2)
                gath(j0, 0, gsem0).wait()
                gath(j0 + jnp.int32(1), 1, gsem1).start()
                scat(j0, 0)
                gath(j0 + jnp.int32(1), 1, gsem1).wait()
                gath(j0 + jnp.int32(2), 0, gsem0).start()
                scat(j0 + jnp.int32(1), 1)

            j0 = jnp.int32(2 * (npair - 1))
            gath(j0, 0, gsem0).wait()
            gath(j0 + jnp.int32(1), 1, gsem1).start()
            scat(j0, 0)
            gath(j0 + jnp.int32(1), 1, gsem1).wait()
            scat(j0 + jnp.int32(1), 1)

        plsc.subcore_barrier()
        pltpu.sync_copy(acc_sh.at[pl.ds(r0, RPS)],
                        out_hbm.at[cid, pl.ds(r0, RPS)])

    return agg_kernel(hs, src2, dst2)


def _tc_prep(x_pad, W, cnt):
    RB = 1024

    def body(x_ref, w_ref, cnt_ref, hs_ref, hself_ref):
        h = lax.dot(x_ref[...], w_ref[...],
                    precision=lax.Precision.HIGHEST)
        deg = jnp.sum(cnt_ref[...], axis=0)[:, None] + 1.0
        hs_ref[...] = h * lax.rsqrt(deg)
        hself_ref[...] = h / deg

    return pl.pallas_call(
        body,
        grid=(NROWS // RB,),
        in_specs=[pl.BlockSpec((RB, D), lambda i: (i, _z())),
                  pl.BlockSpec((D, D), lambda i: (_z(), _z())),
                  pl.BlockSpec((NW, RB), lambda i: (_z(), i))],
        out_specs=[pl.BlockSpec((RB, D), lambda i: (i, _z())),
                   pl.BlockSpec((RB, D), lambda i: (i, _z()))],
        out_shape=[jax.ShapeDtypeStruct((NROWS, D), f32),
                   jax.ShapeDtypeStruct((NROWS, D), f32)],
    )(x_pad, W, cnt)


def _tc_final(accs, cnt, hself):
    RB = 1024

    def body(acc_ref, cnt_ref, hself_ref, out_ref):
        deg = jnp.sum(cnt_ref[...], axis=0)[:, None] + 1.0
        out_ref[...] = ((acc_ref[0] + acc_ref[1]) * lax.rsqrt(deg)
                        + hself_ref[...])

    return pl.pallas_call(
        body,
        grid=(NROWS // RB,),
        in_specs=[pl.BlockSpec((NC, RB, D), lambda i: (_z(), i, _z())),
                  pl.BlockSpec((NW, RB), lambda i: (_z(), i)),
                  pl.BlockSpec((RB, D), lambda i: (i, _z()))],
        out_specs=pl.BlockSpec((RB, D), lambda i: (i, _z())),
        out_shape=jax.ShapeDtypeStruct((NROWS, D), f32),
    )(accs, cnt, hself)


def kernel(x, edge_index, W):
    src = edge_index[0].astype(jnp.int32)
    dst = edge_index[1].astype(jnp.int32)
    e = src.shape[0]
    chunk = NW * B
    ep = ((e + chunk - 1) // chunk) * chunk
    pad = ep - e
    if pad:
        src = jnp.concatenate([src, jnp.full((pad,), TRASH, jnp.int32)])
        dst = jnp.concatenate([dst, jnp.full((pad,), TRASH, jnp.int32)])
    x_pad = jnp.pad(x.astype(f32), ((0, NROWS - N), (0, 0)))

    chunk_d = NW * BD
    epd = ((e + chunk_d - 1) // chunk_d) * chunk_d
    if epd <= ep:
        dst_d = dst[:epd] if epd < ep else dst
    else:
        dst_d = jnp.concatenate(
            [dst, jnp.full((epd - ep,), TRASH, jnp.int32)])

    cnt = _sc_degree(dst_d, epd)
    hs, hself = _tc_prep(x_pad, W.astype(f32), cnt)
    epw = ep // NW
    accs = _sc_edge_agg(hs, src.reshape(NW, epw),
                        dst.reshape(NW, epw // BD, BD), ep)
    out = _tc_final(accs, cnt, hself)
    return out[:N]
    out = _tc_final(accs, cnt, hself)
    return out[:N]

# --- scband reference (transcript-rebuilt; emitter-appended) ---
"""Pipeline reference for scband-rnd-85598698209494 (READ-ONLY COPY).

The authoritative reference and input builder live on the scoring server;
editing this copy changes nothing except your own understanding.
"""

import jax, jax.numpy as jnp
import numpy as np

jax.config.update('jax_enable_x64', True)

N = 10000
E = 320000
D = 128


def setup_inputs(seed: int = 0) -> dict:
    key = jax.random.key(seed)
    k1, k2, k3 = jax.random.split(key, 3)
    x = jax.random.normal(k1, (N, D), dtype=jnp.float32)
    edge_index = jax.random.randint(k2, (2, E), 0, N, dtype=jnp.int64)
    W = (jax.random.normal(k3, (D, D), dtype=jnp.float32) * (1.0 / np.sqrt(D))).astype(jnp.float32)
    return {"x": x, "edge_index": edge_index, "W": W}


def reference(x, edge_index, W):
    # BaseAttack is an abstract attack wrapper around a GCN surrogate; the
    # underlying message-passing computation it perturbs is the symmetric
    # normalized propagation A_hat @ X @ W (with self-loops), which we
    # implement faithfully here as the runnable forward.
    src = edge_index[0]
    dst = edge_index[1]
    # degree with self-loop
    deg = jnp.zeros((N,), dtype=x.dtype).at[dst].add(1.0) + 1.0
    inv_sqrt_deg = jax.lax.rsqrt(deg)
    h = x @ W
    norm = inv_sqrt_deg[src] * inv_sqrt_deg[dst]
    msg = jnp.take(h, src, axis=0) * norm[:, None]
    agg = jnp.zeros_like(h).at[dst].add(msg)
    # self-loop contribution: 1/deg for each node
    out = agg + h * (1.0 / deg)[:, None]
    return out

if __name__ == "__main__":
    import jax
    _d = setup_inputs()
    print(jax.jit(kernel)(*tuple(_d.values())))

</pallas_src>

<mosaic_0001>
#map = affine_map<(d0, d1) -> (0)>
#map1 = affine_map<(d0, d1) -> (0, 0)>
module attributes {stable_mosaic.version = 14 : i64} {
  func.func @deg_kernel(%arg0: i32, %arg1: i32, %arg2: memref<323584xi32, #tpu.memory_space<hbm>>, %arg3: memref<32x10240xf32, #tpu.memory_space<hbm>>, %arg4: memref<10112xi32, #tpu.memory_space<vmem>>, %arg5: memref<10240xf32, #tpu.memory_space<vmem>>, %arg6: memref<!tpu.dma_semaphore, #tpu.memory_space<semaphore_mem>>) attributes {dimension_semantics = [#tpu.dimension_semantics<core_parallel>, #tpu.dimension_semantics<subcore_parallel>], iteration_bounds = array<i64: 2, 16>, scalar_prefetch = 0 : i64, scratch_operands = 3 : i64, tpu.core_type = #tpu.core_type<sc_vector_subcore>, window_params = [{transform_indices = #map}, {transform_indices = #map1}]} {
    %mul3A = arith.constant 16 : i32
    %mul3A_0 = arith.muli %arg0, %mul3A : i32
    %add3A = arith.addi %mul3A_0, %arg1 : i32
    %broadcast_in_dim3A = arith.constant 0.000000e+00 : f32
    %broadcast_in_dim3A_1 = vector.broadcast %broadcast_in_dim3A : f32 to vector<16xf32>
    %broadcast_in_dim3A_2 = arith.constant 1.000000e+00 : f32
    %broadcast_in_dim3A_3 = vector.broadcast %broadcast_in_dim3A_2 : f32 to vector<16xf32>
    %mul3A_4 = arith.constant 10112 : i32
    %mul3A_5 = arith.muli %add3A, %mul3A_4 : i32
    %dma_start3A = tpu.memref_slice %arg2[%mul3A_5] : memref<323584xi32, #tpu.memory_space<hbm>> -> memref<10112xi32, #tpu.memory_space<hbm>>
    %dma_start3A_6 = tpu.memref_slice %arg2[%mul3A_5] : memref<323584xi32, #tpu.memory_space<hbm>> -> memref<10112xi32, #tpu.memory_space<hbm>>
    tpu.enqueue_dma source(%dma_start3A_6 : memref<10112xi32, #tpu.memory_space<hbm>>) target(%arg4 : memref<10112xi32, #tpu.memory_space<vmem>>) target_semaphore(%arg6 : memref<!tpu.dma_semaphore, #tpu.memory_space<semaphore_mem>>)
    %sub3A = arith.constant 640 : i32
    %sub3A_7 = arith.constant 0 : i32
    %sub3A_8 = arith.subi %sub3A, %sub3A_7 : i32
    %sub3A_9 = arith.constant 1 : i32
    %sub3A_10 = arith.constant 1 : i32
    %sub3A_11 = arith.subi %sub3A_9, %sub3A_10 : i32
    %add3A_12 = arith.addi %sub3A_8, %sub3A_11 : i32
    %div3A = arith.constant 1 : i32
    %div3A_13 = arith.divsi %add3A_12, %div3A : i32
    %while3A = arith.constant 1 : i32
    %while3A_14 = arith.constant 0 : i32
    %while3A_15 = arith.constant 0 : i32
    %while3A_16 = arith.subi %div3A_13, %while3A_15 : i32
    %while3A_17 = arith.addi %while3A_15, %while3A_16 : i32
    %while3A_18 = arith.constant 1 : i32
    %while3A_19 = arith.divsi %while3A_16, %while3A_18 : i32
    %while3A_20 = arith.muli %while3A_19, %while3A_18 : i32
    %while3A_21 = arith.addi %while3A_15, %while3A_20 : i32
    %while3A_22 = arith.constant 1 : i32
    scf.for %while3A_45 = %while3A_15 to %while3A_21 step %while3A_22  : i32 {
      %mul3A_46 = arith.muli %while3A_45, %while3A : i32
      %add3A_47 = arith.addi %while3A_14, %mul3A_46 : i32
      %mul3A_48 = arith.constant 16 : i32
      %mul3A_49 = arith.muli %add3A_47, %mul3A_48 : i32
      %swap3A = arith.index_cast %mul3A_49 : i32 to index
      %swap3A_50 = tpu.vector_load %arg5[%swap3A] {strides = array<i32>} : memref<10240xf32, #tpu.memory_space<vmem>>, vector<16xf32>,
      tpu.vector_store %arg5[%swap3A], %broadcast_in_dim3A_1 {strides = array<i32>} : memref<10240xf32, #tpu.memory_space<vmem>>, vector<16xf32>,
    }
    %while3A_23 = arith.constant 1 : i32
    scf.for %while3A_45 = %while3A_21 to %while3A_17 step %while3A_23  : i32 {
      %mul3A_46 = arith.muli %while3A_45, %while3A : i32
      %add3A_47 = arith.addi %while3A_14, %mul3A_46 : i32
      %mul3A_48 = arith.constant 16 : i32
      %mul3A_49 = arith.muli %add3A_47, %mul3A_48 : i32
      %swap3A = arith.index_cast %mul3A_49 : i32 to index
      %swap3A_50 = tpu.vector_load %arg5[%swap3A] {strides = array<i32>} : memref<10240xf32, #tpu.memory_space<vmem>>, vector<16xf32>,
      tpu.vector_store %arg5[%swap3A], %broadcast_in_dim3A_1 {strides = array<i32>} : memref<10240xf32, #tpu.memory_space<vmem>>, vector<16xf32>,
    }
    %dma_wait3A = tpu.memref_slice %arg2[%mul3A_5] : memref<323584xi32, #tpu.memory_space<hbm>> -> memref<10112xi32, #tpu.memory_space<hbm>>
    %dma_wait3A_24 = tpu.memref_slice %arg2[%mul3A_5] : memref<323584xi32, #tpu.memory_space<hbm>> -> memref<10112xi32, #tpu.memory_space<hbm>>
    tpu.wait_dma2 semaphore(%arg6 : memref<!tpu.dma_semaphore, #tpu.memory_space<semaphore_mem>>) src(%dma_wait3A_24 : memref<10112xi32, #tpu.memory_space<hbm>>) dst(%arg4 : memref<10112xi32, #tpu.memory_space<vmem>>)
    %sub3A_25 = arith.constant 79 : i32
    %sub3A_26 = arith.constant 0 : i32
    %sub3A_27 = arith.subi %sub3A_25, %sub3A_26 : i32
    %sub3A_28 = arith.constant 1 : i32
    %sub3A_29 = arith.constant 1 : i32
    %sub3A_30 = arith.subi %sub3A_28, %sub3A_29 : i32
    %add3A_31 = arith.addi %sub3A_27, %sub3A_30 : i32
    %div3A_32 = arith.constant 1 : i32
    %div3A_33 = arith.divsi %add3A_31, %div3A_32 : i32
    %while3A_34 = arith.constant 1 : i32
    %while3A_35 = arith.constant 0 : i32
    %while3A_36 = arith.constant 0 : i32
    %while3A_37 = arith.subi %div3A_33, %while3A_36 : i32
    %while3A_38 = arith.addi %while3A_36, %while3A_37 : i32
    %while3A_39 = arith.constant 1 : i32
    %while3A_40 = arith.divsi %while3A_37, %while3A_39 : i32
    %while3A_41 = arith.muli %while3A_40, %while3A_39 : i32
    %while3A_42 = arith.addi %while3A_36, %while3A_41 : i32
    %while3A_43 = arith.constant 1 : i32
    scf.for %while3A_45 = %while3A_36 to %while3A_42 step %while3A_43  : i32 {
      %mul3A_46 = arith.muli %while3A_45, %while3A_34 : i32
      %add3A_47 = arith.addi %while3A_35, %mul3A_46 : i32
      %mul3A_48 = arith.constant 128 : i32
      %mul3A_49 = arith.muli %add3A_47, %mul3A_48 : i32
      %add3A_50 = arith.constant 0 : i32
      %add3A_51 = arith.addi %mul3A_49, %add3A_50 : i32
      %get3A = arith.index_cast %add3A_51 : i32 to index
      %get3A_52 = tpu.vector_load %arg4[%get3A] {strides = array<i32>} : memref<10112xi32, #tpu.memory_space<vmem>>, vector<16xi32>,
      tpu.vector_store_idx %arg5[%get3A_52], %broadcast_in_dim3A_3 {add = true} : memref<10240xf32, #tpu.memory_space<vmem>>[vector<16xi32>], vector<16xf32>,
      %add3A_53 = arith.constant 16 : i32
      %add3A_54 = arith.addi %mul3A_49, %add3A_53 : i32
      %get3A_55 = arith.index_cast %add3A_54 : i32 to index
      %get3A_56 = tpu.vector_load %arg4[%get3A_55] {strides = array<i32>} : memref<10112xi32, #tpu.memory_space<vmem>>, vector<16xi32>,
      tpu.vector_store_idx %arg5[%get3A_56], %broadcast_in_dim3A_3 {add = true} : memref<10240xf32, #tpu.memory_space<vmem>>[vector<16xi32>], vector<16xf32>,
      %add3A_57 = arith.constant 32 : i32
      %add3A_58 = arith.addi %mul3A_49, %add3A_57 : i32
      %get3A_59 = arith.index_cast %add3A_58 : i32 to index
      %get3A_60 = tpu.vector_load %arg4[%get3A_59] {strides = array<i32>} : memref<10112xi32, #tpu.memory_space<vmem>>, vector<16xi32>,
      tpu.vector_store_idx %arg5[%get3A_60], %broadcast_in_dim3A_3 {add = true} : memref<10240xf32, #tpu.memory_space<vmem>>[vector<16xi32>], vector<16xf32>,
      %add3A_61 = arith.constant 48 : i32
      %add3A_62 = arith.addi %mul3A_49, %add3A_61 : i32
      %get3A_63 = arith.index_cast %add3A_62 : i32 to index
      %get3A_64 = tpu.vector_load %arg4[%get3A_63] {strides = array<i32>} : memref<10112xi32, #tpu.memory_space<vmem>>, vector<16xi32>,
      tpu.vector_store_idx %arg5[%get3A_64], %broadcast_in_dim3A_3 {add = true} : memref<10240xf32, #tpu.memory_space<vmem>>[vector<16xi32>], vector<16xf32>,
      %add3A_65 = arith.constant 64 : i32
      %add3A_66 = arith.addi %mul3A_49, %add3A_65 : i32
      %get3A_67 = arith.index_cast %add3A_66 : i32 to index
      %get3A_68 = tpu.vector_load %arg4[%get3A_67] {strides = array<i32>} : memref<10112xi32, #tpu.memory_space<vmem>>, vector<16xi32>,
      tpu.vector_store_idx %arg5[%get3A_68], %broadcast_in_dim3A_3 {add = true} : memref<10240xf32, #tpu.memory_space<vmem>>[vector<16xi32>], vector<16xf32>,
      %add3A_69 = arith.constant 80 : i32
      %add3A_70 = arith.addi %mul3A_49, %add3A_69 : i32
      %get3A_71 = arith.index_cast %add3A_70 : i32 to index
      %get3A_72 = tpu.vector_load %arg4[%get3A_71] {strides = array<i32>} : memref<10112xi32, #tpu.memory_space<vmem>>, vector<16xi32>,
      tpu.vector_store_idx %arg5[%get3A_72], %broadcast_in_dim3A_3 {add = true} : memref<10240xf32, #tpu.memory_space<vmem>>[vector<16xi32>], vector<16xf32>,
      %add3A_73 = arith.constant 96 : i32
      %add3A_74 = arith.addi %mul3A_49, %add3A_73 : i32
      %get3A_75 = arith.index_cast %add3A_74 : i32 to index
      %get3A_76 = tpu.vector_load %arg4[%get3A_75] {strides = array<i32>} : memref<10112xi32, #tpu.memory_space<vmem>>, vector<16xi32>,
      tpu.vector_store_idx %arg5[%get3A_76], %broadcast_in_dim3A_3 {add = true} : memref<10240xf32, #tpu.memory_space<vmem>>[vector<16xi32>], vector<16xf32>,
      %add3A_77 = arith.constant 112 : i32
      %add3A_78 = arith.addi %mul3A_49, %add3A_77 : i32
      %get3A_79 = arith.index_cast %add3A_78 : i32 to index
      %get3A_80 = tpu.vector_load %arg4[%get3A_79] {strides = array<i32>} : memref<10112xi32, #tpu.memory_space<vmem>>, vector<16xi32>,
      tpu.vector_store_idx %arg5[%get3A_80], %broadcast_in_dim3A_3 {add = true} : memref<10240xf32, #tpu.memory_space<vmem>>[vector<16xi32>], vector<16xf32>,
    }
    %while3A_44 = arith.constant 1 : i32
    scf.for %while3A_45 = %while3A_42 to %while3A_38 step %while3A_44  : i32 {
      %mul3A_46 = arith.muli %while3A_45, %while3A_34 : i32
      %add3A_47 = arith.addi %while3A_35, %mul3A_46 : i32
      %mul3A_48 = arith.constant 128 : i32
      %mul3A_49 = arith.muli %add3A_47, %mul3A_48 : i32
      %add3A_50 = arith.constant 0 : i32
      %add3A_51 = arith.addi %mul3A_49, %add3A_50 : i32
      %get3A = arith.index_cast %add3A_51 : i32 to index
      %get3A_52 = tpu.vector_load %arg4[%get3A] {strides = array<i32>} : memref<10112xi32, #tpu.memory_space<vmem>>, vector<16xi32>,
      tpu.vector_store_idx %arg5[%get3A_52], %broadcast_in_dim3A_3 {add = true} : memref<10240xf32, #tpu.memory_space<vmem>>[vector<16xi32>], vector<16xf32>,
      %add3A_53 = arith.constant 16 : i32
      %add3A_54 = arith.addi %mul3A_49, %add3A_53 : i32
      %get3A_55 = arith.index_cast %add3A_54 : i32 to index
      %get3A_56 = tpu.vector_load %arg4[%get3A_55] {strides = array<i32>} : memref<10112xi32, #tpu.memory_space<vmem>>, vector<16xi32>,
      tpu.vector_store_idx %arg5[%get3A_56], %broadcast_in_dim3A_3 {add = true} : memref<10240xf32, #tpu.memory_space<vmem>>[vector<16xi32>], vector<16xf32>,
      %add3A_57 = arith.constant 32 : i32
      %add3A_58 = arith.addi %mul3A_49, %add3A_57 : i32
      %get3A_59 = arith.index_cast %add3A_58 : i32 to index
      %get3A_60 = tpu.vector_load %arg4[%get3A_59] {strides = array<i32>} : memref<10112xi32, #tpu.memory_space<vmem>>, vector<16xi32>,
      tpu.vector_store_idx %arg5[%get3A_60], %broadcast_in_dim3A_3 {add = true} : memref<10240xf32, #tpu.memory_space<vmem>>[vector<16xi32>], vector<16xf32>,
      %add3A_61 = arith.constant 48 : i32
      %add3A_62 = arith.addi %mul3A_49, %add3A_61 : i32
      %get3A_63 = arith.index_cast %add3A_62 : i32 to index
      %get3A_64 = tpu.vector_load %arg4[%get3A_63] {strides = array<i32>} : memref<10112xi32, #tpu.memory_space<vmem>>, vector<16xi32>,
      tpu.vector_store_idx %arg5[%get3A_64], %broadcast_in_dim3A_3 {add = true} : memref<10240xf32, #tpu.memory_space<vmem>>[vector<16xi32>], vector<16xf32>,
      %add3A_65 = arith.constant 64 : i32
      %add3A_66 = arith.addi %mul3A_49, %add3A_65 : i32
      %get3A_67 = arith.index_cast %add3A_66 : i32 to index
      %get3A_68 = tpu.vector_load %arg4[%get3A_67] {strides = array<i32>} : memref<10112xi32, #tpu.memory_space<vmem>>, vector<16xi32>,
      tpu.vector_store_idx %arg5[%get3A_68], %broadcast_in_dim3A_3 {add = true} : memref<10240xf32, #tpu.memory_space<vmem>>[vector<16xi32>], vector<16xf32>,
      %add3A_69 = arith.constant 80 : i32
      %add3A_70 = arith.addi %mul3A_49, %add3A_69 : i32
      %get3A_71 = arith.index_cast %add3A_70 : i32 to index
      %get3A_72 = tpu.vector_load %arg4[%get3A_71] {strides = array<i32>} : memref<10112xi32, #tpu.memory_space<vmem>>, vector<16xi32>,
      tpu.vector_store_idx %arg5[%get3A_72], %broadcast_in_dim3A_3 {add = true} : memref<10240xf32, #tpu.memory_space<vmem>>[vector<16xi32>], vector<16xf32>,
      %add3A_73 = arith.constant 96 : i32
      %add3A_74 = arith.addi %mul3A_49, %add3A_73 : i32
      %get3A_75 = arith.index_cast %add3A_74 : i32 to index
      %get3A_76 = tpu.vector_load %arg4[%get3A_75] {strides = array<i32>} : memref<10112xi32, #tpu.memory_space<vmem>>, vector<16xi32>,
      tpu.vector_store_idx %arg5[%get3A_76], %broadcast_in_dim3A_3 {add = true} : memref<10240xf32, #tpu.memory_space<vmem>>[vector<16xi32>], vector<16xf32>,
      %add3A_77 = arith.constant 112 : i32
      %add3A_78 = arith.addi %mul3A_49, %add3A_77 : i32
      %get3A_79 = arith.index_cast %add3A_78 : i32 to index
      %get3A_80 = tpu.vector_load %arg4[%get3A_79] {strides = array<i32>} : memref<10112xi32, #tpu.memory_space<vmem>>, vector<16xi32>,
      tpu.vector_store_idx %arg5[%get3A_80], %broadcast_in_dim3A_3 {add = true} : memref<10240xf32, #tpu.memory_space<vmem>>[vector<16xi32>], vector<16xf32>,
    }
    "tpu.region"() ({
      %run_scoped3A = tpu.sem_alloc : memref<!tpu.dma_semaphore, #tpu.memory_space<semaphore_mem>>
      %dma_start3A_45 = arith.constant 0 : i32
      %dma_start3A_46 = tpu.memref_slice %arg3[%add3A, %dma_start3A_45] : memref<32x10240xf32, #tpu.memory_space<hbm>> -> memref<1x10240xf32, #tpu.memory_space<hbm>>
      %dma_start3A_47 = tpu.memref_squeeze %dma_start3A_46 : memref<1x10240xf32, #tpu.memory_space<hbm>> -> memref<10240xf32, #tpu.memory_space<hbm>>
      %dma_start3A_48 = arith.constant 0 : i32
      %dma_start3A_49 = tpu.memref_slice %arg3[%add3A, %dma_start3A_48] : memref<32x10240xf32, #tpu.memory_space<hbm>> -> memref<1x10240xf32, #tpu.memory_space<hbm>>
      %dma_start3A_50 = tpu.memref_squeeze %dma_start3A_49 : memref<1x10240xf32, #tpu.memory_space<hbm>> -> memref<10240xf32, #tpu.memory_space<hbm>>
      tpu.enqueue_dma source(%arg5 : memref<10240xf32, #tpu.memory_space<vmem>>) target(%dma_start3A_50 : memref<10240xf32, #tpu.memory_space<hbm>>) target_semaphore(%run_scoped3A : memref<!tpu.dma_semaphore, #tpu.memory_space<semaphore_mem>>)
      %dma_wait3A_51 = arith.constant 0 : i32
      %dma_wait3A_52 = tpu.memref_slice %arg3[%add3A, %dma_wait3A_51] : memref<32x10240xf32, #tpu.memory_space<hbm>> -> memref<1x10240xf32, #tpu.memory_space<hbm>>
      %dma_wait3A_53 = tpu.memref_squeeze %dma_wait3A_52 : memref<1x10240xf32, #tpu.memory_space<hbm>> -> memref<10240xf32, #tpu.memory_space<hbm>>
      %dma_wait3A_54 = arith.constant 0 : i32
      %dma_wait3A_55 = tpu.memref_slice %arg3[%add3A, %dma_wait3A_54] : memref<32x10240xf32, #tpu.memory_space<hbm>> -> memref<1x10240xf32, #tpu.memory_space<hbm>>
      %dma_wait3A_56 = tpu.memref_squeeze %dma_wait3A_55 : memref<1x10240xf32, #tpu.memory_space<hbm>> -> memref<10240xf32, #tpu.memory_space<hbm>>
      tpu.wait_dma2 semaphore(%run_scoped3A : memref<!tpu.dma_semaphore, #tpu.memory_space<semaphore_mem>>) src(%arg5 : memref<10240xf32, #tpu.memory_space<vmem>>) dst(%dma_wait3A_56 : memref<10240xf32, #tpu.memory_space<hbm>>)
      tpu.yield
    }) : () -> ()
    return
  }
}

#map = affine_map<(d0, d1) -> (0, 0)>
#map1 = affine_map<(d0, d1) -> (0, 0, 0)>
module attributes {stable_mosaic.version = 14 : i64} {
  func.func @agg_kernel(%arg0: i32, %arg1: i32, %arg2: memref<10240x128xf32, #tpu.memory_space<hbm>>, %arg3: memref<32x10240xi32, #tpu.memory_space<hbm>>, %arg4: memref<32x80x128xi32, #tpu.memory_space<hbm>>, %arg5: memref<2x10240x128xf32, #tpu.memory_space<hbm>>, %arg6: memref<5120xi32, #tpu.memory_space<vmem>>, %arg7: memref<40x128xi32, #tpu.memory_space<vmem>>, %arg8: memref<2x128x128xf32, #tpu.memory_space<vmem>>, %arg9: memref<10240x128xf32, #tpu.memory_space<vmem_shared>>, %arg10: memref<!tpu.dma_semaphore, #tpu.memory_space<semaphore_mem>>, %arg11: memref<!tpu.dma_semaphore, #tpu.memory_space<semaphore_mem>>, %arg12: memref<!tpu.dma_semaphore, #tpu.memory_space<semaphore_mem>>) attributes {dimension_semantics = [#tpu.dimension_semantics<core_parallel>, #tpu.dimension_semantics<subcore_parallel>], iteration_bounds = array<i64: 2, 16>, scalar_prefetch = 0 : i64, scratch_operands = 7 : i64, tpu.core_type = #tpu.core_type<sc_vector_subcore>, window_params = [{transform_indices = #map}, {transform_indices = #map}, {transform_indices = #map1}, {transform_indices = #map1}]} {
    %mul3A = arith.constant 16 : i32
    %mul3A_0 = arith.muli %arg0, %mul3A : i32
    %add3A = arith.addi %mul3A_0, %arg1 : i32
    %mul3A_1 = arith.constant 640 : i32
    %mul3A_2 = arith.muli %arg1, %mul3A_1 : i32
    %broadcast_in_dim3A = arith.constant 0.000000e+00 : f32
    %broadcast_in_dim3A_3 = vector.broadcast %broadcast_in_dim3A : f32 to vector<16xf32>
    %sub3A = arith.constant 128 : i32
    %sub3A_4 = arith.constant 0 : i32
    %sub3A_5 = arith.subi %sub3A, %sub3A_4 : i32
    %sub3A_6 = arith.constant 1 : i32
    %sub3A_7 = arith.constant 1 : i32
    %sub3A_8 = arith.subi %sub3A_6, %sub3A_7 : i32
    %add3A_9 = arith.addi %sub3A_5, %sub3A_8 : i32
    %div3A = arith.constant 1 : i32
    %div3A_10 = arith.divsi %add3A_9, %div3A : i32
    %while3A = arith.constant 1 : i32
    %while3A_11 = arith.constant 0 : i32
    %while3A_12 = arith.constant 0 : i32
    %while3A_13 = arith.subi %div3A_10, %while3A_12 : i32
    %while3A_14 = arith.addi %while3A_12, %while3A_13 : i32
    %while3A_15 = arith.constant 1 : i32
    %while3A_16 = arith.divsi %while3A_13, %while3A_15 : i32
    %while3A_17 = arith.muli %while3A_16, %while3A_15 : i32
    %while3A_18 = arith.addi %while3A_12, %while3A_17 : i32
    %while3A_19 = arith.constant 1 : i32
    scf.for %while3A_238 = %while3A_12 to %while3A_18 step %while3A_19  : i32 {
      %mul3A_239 = arith.muli %while3A_238, %while3A : i32
      %add3A_240 = arith.addi %while3A_11, %mul3A_239 : i32
      %swap3A = arith.constant 0 : i32
      %swap3A_241 = arith.constant 0 : i32
      %swap3A_242 = arith.index_cast %swap3A : i32 to index
      %swap3A_243 = arith.index_cast %add3A_240 : i32 to index
      %swap3A_244 = arith.index_cast %swap3A_241 : i32 to index
      %swap3A_245 = tpu.vector_load %arg8[%swap3A_242, %swap3A_243, %swap3A_244] {strides = array<i32>} : memref<2x128x128xf32, #tpu.memory_space<vmem>>, vector<1x1x16xf32>,
      %swap3A_246 = vector.shape_cast %swap3A_245 : vector<1x1x16xf32> to vector<16xf32>
      %swap3A_247 = vector.shape_cast %broadcast_in_dim3A_3 : vector<16xf32> to vector<1x1x16xf32>
      tpu.vector_store %arg8[%swap3A_242, %swap3A_243, %swap3A_244], %swap3A_247 {strides = array<i32>} : memref<2x128x128xf32, #tpu.memory_space<vmem>>, vector<1x1x16xf32>,
      %swap3A_248 = arith.constant 0 : i32
      %swap3A_249 = arith.constant 16 : i32
      %swap3A_250 = arith.index_cast %swap3A_248 : i32 to index
      %swap3A_251 = arith.index_cast %add3A_240 : i32 to index
      %swap3A_252 = arith.index_cast %swap3A_249 : i32 to index
      %swap3A_253 = tpu.vector_load %arg8[%swap3A_250, %swap3A_251, %swap3A_252] {strides = array<i32>} : memref<2x128x128xf32, #tpu.memory_space<vmem>>, vector<1x1x16xf32>,
      %swap3A_254 = vector.shape_cast %swap3A_253 : vector<1x1x16xf32> to vector<16xf32>
      %swap3A_255 = vector.shape_cast %broadcast_in_dim3A_3 : vector<16xf32> to vector<1x1x16xf32>
      tpu.vector_store %arg8[%swap3A_250, %swap3A_251, %swap3A_252], %swap3A_255 {strides = array<i32>} : memref<2x128x128xf32, #tpu.memory_space<vmem>>, vector<1x1x16xf32>,
      %swap3A_256 = arith.constant 0 : i32
      %swap3A_257 = arith.constant 32 : i32
      %swap3A_258 = arith.index_cast %swap3A_256 : i32 to index
      %swap3A_259 = arith.index_cast %add3A_240 : i32 to index
      %swap3A_260 = arith.index_cast %swap3A_257 : i32 to index
      %swap3A_261 = tpu.vector_load %arg8[%swap3A_258, %swap3A_259, %swap3A_260] {strides = array<i32>} : memref<2x128x128xf32, #tpu.memory_space<vmem>>, vector<1x1x16xf32>,
      %swap3A_262 = vector.shape_cast %swap3A_261 : vector<1x1x16xf32> to vector<16xf32>
      %swap3A_263 = vector.shape_cast %broadcast_in_dim3A_3 : vector<16xf32> to vector<1x1x16xf32>
      tpu.vector_store %arg8[%swap3A_258, %swap3A_259, %swap3A_260], %swap3A_263 {strides = array<i32>} : memref<2x128x128xf32, #tpu.memory_space<vmem>>, vector<1x1x16xf32>,
      %swap3A_264 = arith.constant 0 : i32
      %swap3A_265 = arith.constant 48 : i32
      %swap3A_266 = arith.index_cast %swap3A_264 : i32 to index
      %swap3A_267 = arith.index_cast %add3A_240 : i32 to index
      %swap3A_268 = arith.index_cast %swap3A_265 : i32 to index
      %swap3A_269 = tpu.vector_load %arg8[%swap3A_266, %swap3A_267, %swap3A_268] {strides = array<i32>} : memref<2x128x128xf32, #tpu.memory_space<vmem>>, vector<1x1x16xf32>,
      %swap3A_270 = vector.shape_cast %swap3A_269 : vector<1x1x16xf32> to vector<16xf32>
      %swap3A_271 = vector.shape_cast %broadcast_in_dim3A_3 : vector<16xf32> to vector<1x1x16xf32>
      tpu.vector_store %arg8[%swap3A_266, %swap3A_267, %swap3A_268], %swap3A_271 {strides = array<i32>} : memref<2x128x128xf32, #tpu.memory_space<vmem>>, vector<1x1x16xf32>,
      %swap3A_272 = arith.constant 0 : i32
      %swap3A_273 = arith.constant 64 : i32
      %swap3A_274 = arith.index_cast %swap3A_272 : i32 to index
      %swap3A_275 = arith.index_cast %add3A_240 : i32 to index
      %swap3A_276 = arith.index_cast %swap3A_273 : i32 to index
      %swap3A_277 = tpu.vector_load %arg8[%swap3A_274, %swap3A_275, %swap3A_276] {strides = array<i32>} : memref<2x128x128xf32, #tpu.memory_space<vmem>>, vector<1x1x16xf32>,
      %swap3A_278 = vector.shape_cast %swap3A_277 : vector<1x1x16xf32> to vector<16xf32>
      %swap3A_279 = vector.shape_cast %broadcast_in_dim3A_3 : vector<16xf32> to vector<1x1x16xf32>
      tpu.vector_store %arg8[%swap3A_274, %swap3A_275, %swap3A_276], %swap3A_279 {strides = array<i32>} : memref<2x128x128xf32, #tpu.memory_space<vmem>>, vector<1x1x16xf32>,
      %swap3A_280 = arith.constant 0 : i32
      %swap3A_281 = arith.constant 80 : i32
      %swap3A_282 = arith.index_cast %swap3A_280 : i32 to index
      %swap3A_283 = arith.index_cast %add3A_240 : i32 to index
      %swap3A_284 = arith.index_cast %swap3A_281 : i32 to index
      %swap3A_285 = tpu.vector_load %arg8[%swap3A_282, %swap3A_283, %swap3A_284] {strides = array<i32>} : memref<2x128x128xf32, #tpu.memory_space<vmem>>, vector<1x1x16xf32>,
      %swap3A_286 = vector.shape_cast %swap3A_285 : vector<1x1x16xf32> to vector<16xf32>
      %swap3A_287 = vector.shape_cast %broadcast_in_dim3A_3 : vector<16xf32> to vector<1x1x16xf32>
      tpu.vector_store %arg8[%swap3A_282, %swap3A_283, %swap3A_284], %swap3A_287 {strides = array<i32>} : memref<2x128x128xf32, #tpu.memory_space<vmem>>, vector<1x1x16xf32>,
      %swap3A_288 = arith.constant 0 : i32
      %swap3A_289 = arith.constant 96 : i32
      %swap3A_290 = arith.index_cast %swap3A_288 : i32 to index
      %swap3A_291 = arith.index_cast %add3A_240 : i32 to index
      %swap3A_292 = arith.index_cast %swap3A_289 : i32 to index
      %swap3A_293 = tpu.vector_load %arg8[%swap3A_290, %swap3A_291, %swap3A_292] {strides = array<i32>} : memref<2x128x128xf32, #tpu.memory_space<vmem>>, vector<1x1x16xf32>,
      %swap3A_294 = vector.shape_cast %swap3A_293 : vector<1x1x16xf32> to vector<16xf32>
      %swap3A_295 = vector.shape_cast %broadcast_in_dim3A_3 : vector<16xf32> to vector<1x1x16xf32>
      tpu.vector_store %arg8[%swap3A_290, %swap3A_291, %swap3A_292], %swap3A_295 {strides = array<i32>} : memref<2x128x128xf32, #tpu.memory_space<vmem>>, vector<1x1x16xf32>,
      %swap3A_296 = arith.constant 0 : i32
      %swap3A_297 = arith.constant 112 : i32
      %swap3A_298 = arith.index_cast %swap3A_296 : i32 to index
      %swap3A_299 = arith.index_cast %add3A_240 : i32 to index
      %swap3A_300 = arith.index_cast %swap3A_297 : i32 to index
      %swap3A_301 = tpu.vector_load %arg8[%swap3A_298, %swap3A_299, %swap3A_300] {strides = array<i32>} : memref<2x128x128xf32, #tpu.memory_space<vmem>>, vector<1x1x16xf32>,
      %swap3A_302 = vector.shape_cast %swap3A_301 : vector<1x1x16xf32> to vector<16xf32>
      %swap3A_303 = vector.shape_cast %broadcast_in_dim3A_3 : vector<16xf32> to vector<1x1x16xf32>
      tpu.vector_store %arg8[%swap3A_298, %swap3A_299, %swap3A_300], %swap3A_303 {strides = array<i32>} : memref<2x128x128xf32, #tpu.memory_space<vmem>>, vector<1x1x16xf32>,
    }
    %while3A_20 = arith.constant 1 : i32
    scf.for %while3A_238 = %while3A_18 to %while3A_14 step %while3A_20  : i32 {
      %mul3A_239 = arith.muli %while3A_238, %while3A : i32
      %add3A_240 = arith.addi %while3A_11, %mul3A_239 : i32
      %swap3A = arith.constant 0 : i32
      %swap3A_241 = arith.constant 0 : i32
      %swap3A_242 = arith.index_cast %swap3A : i32 to index
      %swap3A_243 = arith.index_cast %add3A_240 : i32 to index
      %swap3A_244 = arith.index_cast %swap3A_241 : i32 to index
      %swap3A_245 = tpu.vector_load %arg8[%swap3A_242, %swap3A_243, %swap3A_244] {strides = array<i32>} : memref<2x128x128xf32, #tpu.memory_space<vmem>>, vector<1x1x16xf32>,
      %swap3A_246 = vector.shape_cast %swap3A_245 : vector<1x1x16xf32> to vector<16xf32>
      %swap3A_247 = vector.shape_cast %broadcast_in_dim3A_3 : vector<16xf32> to vector<1x1x16xf32>
      tpu.vector_store %arg8[%swap3A_242, %swap3A_243, %swap3A_244], %swap3A_247 {strides = array<i32>} : memref<2x128x128xf32, #tpu.memory_space<vmem>>, vector<1x1x16xf32>,
      %swap3A_248 = arith.constant 0 : i32
      %swap3A_249 = arith.constant 16 : i32
      %swap3A_250 = arith.index_cast %swap3A_248 : i32 to index
      %swap3A_251 = arith.index_cast %add3A_240 : i32 to index
      %swap3A_252 = arith.index_cast %swap3A_249 : i32 to index
      %swap3A_253 = tpu.vector_load %arg8[%swap3A_250, %swap3A_251, %swap3A_252] {strides = array<i32>} : memref<2x128x128xf32, #tpu.memory_space<vmem>>, vector<1x1x16xf32>,
      %swap3A_254 = vector.shape_cast %swap3A_253 : vector<1x1x16xf32> to vector<16xf32>
      %swap3A_255 = vector.shape_cast %broadcast_in_dim3A_3 : vector<16xf32> to vector<1x1x16xf32>
      tpu.vector_store %arg8[%swap3A_250, %swap3A_251, %swap3A_252], %swap3A_255 {strides = array<i32>} : memref<2x128x128xf32, #tpu.memory_space<vmem>>, vector<1x1x16xf32>,
      %swap3A_256 = arith.constant 0 : i32
      %swap3A_257 = arith.constant 32 : i32
      %swap3A_258 = arith.index_cast %swap3A_256 : i32 to index
      %swap3A_259 = arith.index_cast %add3A_240 : i32 to index
      %swap3A_260 = arith.index_cast %swap3A_257 : i32 to index
      %swap3A_261 = tpu.vector_load %arg8[%swap3A_258, %swap3A_259, %swap3A_260] {strides = array<i32>} : memref<2x128x128xf32, #tpu.memory_space<vmem>>, vector<1x1x16xf32>,
      %swap3A_262 = vector.shape_cast %swap3A_261 : vector<1x1x16xf32> to vector<16xf32>
      %swap3A_263 = vector.shape_cast %broadcast_in_dim3A_3 : vector<16xf32> to vector<1x1x16xf32>
      tpu.vector_store %arg8[%swap3A_258, %swap3A_259, %swap3A_260], %swap3A_263 {strides = array<i32>} : memref<2x128x128xf32, #tpu.memory_space<vmem>>, vector<1x1x16xf32>,
      %swap3A_264 = arith.constant 0 : i32
      %swap3A_265 = arith.constant 48 : i32
      %swap3A_266 = arith.index_cast %swap3A_264 : i32 to index
      %swap3A_267 = arith.index_cast %add3A_240 : i32 to index
      %swap3A_268 = arith.index_cast %swap3A_265 : i32 to index
      %swap3A_269 = tpu.vector_load %arg8[%swap3A_266, %swap3A_267, %swap3A_268] {strides = array<i32>} : memref<2x128x128xf32, #tpu.memory_space<vmem>>, vector<1x1x16xf32>,
      %swap3A_270 = vector.shape_cast %swap3A_269 : vector<1x1x16xf32> to vector<16xf32>
      %swap3A_271 = vector.shape_cast %broadcast_in_dim3A_3 : vector<16xf32> to vector<1x1x16xf32>
      tpu.vector_store %arg8[%swap3A_266, %swap3A_267, %swap3A_268], %swap3A_271 {strides = array<i32>} : memref<2x128x128xf32, #tpu.memory_space<vmem>>, vector<1x1x16xf32>,
      %swap3A_272 = arith.constant 0 : i32
      %swap3A_273 = arith.constant 64 : i32
      %swap3A_274 = arith.index_cast %swap3A_272 : i32 to index
      %swap3A_275 = arith.index_cast %add3A_240 : i32 to index
      %swap3A_276 = arith.index_cast %swap3A_273 : i32 to index
      %swap3A_277 = tpu.vector_load %arg8[%swap3A_274, %swap3A_275, %swap3A_276] {strides = array<i32>} : memref<2x128x128xf32, #tpu.memory_space<vmem>>, vector<1x1x16xf32>,
      %swap3A_278 = vector.shape_cast %swap3A_277 : vector<1x1x16xf32> to vector<16xf32>
      %swap3A_279 = vector.shape_cast %broadcast_in_dim3A_3 : vector<16xf32> to vector<1x1x16xf32>
      tpu.vector_store %arg8[%swap3A_274, %swap3A_275, %swap3A_276], %swap3A_279 {strides = array<i32>} : memref<2x128x128xf32, #tpu.memory_space<vmem>>, vector<1x1x16xf32>,
      %swap3A_280 = arith.constant 0 : i32
      %swap3A_281 = arith.constant 80 : i32
      %swap3A_282 = arith.index_cast %swap3A_280 : i32 to index
      %swap3A_283 = arith.index_cast %add3A_240 : i32 to index
      %swap3A_284 = arith.index_cast %swap3A_281 : i32 to index
      %swap3A_285 = tpu.vector_load %arg8[%swap3A_282, %swap3A_283, %swap3A_284] {strides = array<i32>} : memref<2x128x128xf32, #tpu.memory_space<vmem>>, vector<1x1x16xf32>,
      %swap3A_286 = vector.shape_cast %swap3A_285 : vector<1x1x16xf32> to vector<16xf32>
      %swap3A_287 = vector.shape_cast %broadcast_in_dim3A_3 : vector<16xf32> to vector<1x1x16xf32>
      tpu.vector_store %arg8[%swap3A_282, %swap3A_283, %swap3A_284], %swap3A_287 {strides = array<i32>} : memref<2x128x128xf32, #tpu.memory_space<vmem>>, vector<1x1x16xf32>,
      %swap3A_288 = arith.constant 0 : i32
      %swap3A_289 = arith.constant 96 : i32
      %swap3A_290 = arith.index_cast %swap3A_288 : i32 to index
      %swap3A_291 = arith.index_cast %add3A_240 : i32 to index
      %swap3A_292 = arith.index_cast %swap3A_289 : i32 to index
      %swap3A_293 = tpu.vector_load %arg8[%swap3A_290, %swap3A_291, %swap3A_292] {strides = array<i32>} : memref<2x128x128xf32, #tpu.memory_space<vmem>>, vector<1x1x16xf32>,
      %swap3A_294 = vector.shape_cast %swap3A_293 : vector<1x1x16xf32> to vector<16xf32>
      %swap3A_295 = vector.shape_cast %broadcast_in_dim3A_3 : vector<16xf32> to vector<1x1x16xf32>
      tpu.vector_store %arg8[%swap3A_290, %swap3A_291, %swap3A_292], %swap3A_295 {strides = array<i32>} : memref<2x128x128xf32, #tpu.memory_space<vmem>>, vector<1x1x16xf32>,
      %swap3A_296 = arith.constant 0 : i32
      %swap3A_297 = arith.constant 112 : i32
      %swap3A_298 = arith.index_cast %swap3A_296 : i32 to index
      %swap3A_299 = arith.index_cast %add3A_240 : i32 to index
      %swap3A_300 = arith.index_cast %swap3A_297 : i32 to index
      %swap3A_301 = tpu.vector_load %arg8[%swap3A_298, %swap3A_299, %swap3A_300] {strides = array<i32>} : memref<2x128x128xf32, #tpu.memory_space<vmem>>, vector<1x1x16xf32>,
      %swap3A_302 = vector.shape_cast %swap3A_301 : vector<1x1x16xf32> to vector<16xf32>
      %swap3A_303 = vector.shape_cast %broadcast_in_dim3A_3 : vector<16xf32> to vector<1x1x16xf32>
      tpu.vector_store %arg8[%swap3A_298, %swap3A_299, %swap3A_300], %swap3A_303 {strides = array<i32>} : memref<2x128x128xf32, #tpu.memory_space<vmem>>, vector<1x1x16xf32>,
    }
    %add3A_21 = arith.constant 0 : i32
    %add3A_22 = arith.addi %mul3A_2, %add3A_21 : i32
    %run_scoped3A = arith.constant 0 : i32
    "tpu.region"() ({
      %run_scoped3A_238 = tpu.sem_alloc : memref<!tpu.dma_semaphore, #tpu.memory_space<semaphore_mem>>
      %dma_start3A_239 = arith.constant 0 : i32
      %dma_start3A_240 = arith.constant 0 : i32
      %dma_start3A_241 = tpu.memref_slice %arg8[%run_scoped3A, %dma_start3A_239, %dma_start3A_240] : memref<2x128x128xf32, #tpu.memory_space<vmem>> -> memref<1x128x128xf32, #tpu.memory_space<vmem>>
      %dma_start3A_242 = tpu.memref_squeeze %dma_start3A_241 : memref<1x128x128xf32, #tpu.memory_space<vmem>> -> memref<128x128xf32, #tpu.memory_space<vmem>>
      %dma_start3A_243 = arith.constant 0 : i32
      %dma_start3A_244 = tpu.memref_slice %arg9[%add3A_22, %dma_start3A_243] : memref<10240x128xf32, #tpu.memory_space<vmem_shared>> -> memref<128x128xf32, #tpu.memory_space<vmem_shared>>
      %dma_start3A_245 = arith.constant 0 : i32
      %dma_start3A_246 = tpu.memref_slice %arg9[%add3A_22, %dma_start3A_245] : memref<10240x128xf32, #tpu.memory_space<vmem_shared>> -> memref<128x128xf32, #tpu.memory_space<vmem_shared>>
      %dma_start3A_247 = arith.constant 0 : i32
      %dma_start3A_248 = arith.constant 0 : i32
      %dma_start3A_249 = tpu.memref_slice %arg8[%run_scoped3A, %dma_start3A_247, %dma_start3A_248] : memref<2x128x128xf32, #tpu.memory_space<vmem>> -> memref<1x128x128xf32, #tpu.memory_space<vmem>>
      %dma_start3A_250 = tpu.memref_squeeze %dma_start3A_249 : memref<1x128x128xf32, #tpu.memory_space<vmem>> -> memref<128x128xf32, #tpu.memory_space<vmem>>
      tpu.enqueue_dma source(%dma_start3A_250 : memref<128x128xf32, #tpu.memory_space<vmem>>) target(%dma_start3A_246 : memref<128x128xf32, #tpu.memory_space<vmem_shared>>) target_semaphore(%run_scoped3A_238 : memref<!tpu.dma_semaphore, #tpu.memory_space<semaphore_mem>>)
      %dma_wait3A_251 = arith.constant 0 : i32
      %dma_wait3A_252 = arith.constant 0 : i32
      %dma_wait3A_253 = tpu.memref_slice %arg8[%run_scoped3A, %dma_wait3A_251, %dma_wait3A_252] : memref<2x128x128xf32, #tpu.memory_space<vmem>> -> memref<1x128x128xf32, #tpu.memory_space<vmem>>
      %dma_wait3A_254 = tpu.memref_squeeze %dma_wait3A_253 : memref<1x128x128xf32, #tpu.memory_space<vmem>> -> memref<128x128xf32, #tpu.memory_space<vmem>>
      %dma_wait3A_255 = arith.constant 0 : i32
      %dma_wait3A_256 = tpu.memref_slice %arg9[%add3A_22, %dma_wait3A_255] : memref<10240x128xf32, #tpu.memory_space<vmem_shared>> -> memref<128x128xf32, #tpu.memory_space<vmem_shared>>
      %dma_wait3A_257 = arith.constant 0 : i32
      %dma_wait3A_258 = tpu.memref_slice %arg9[%add3A_22, %dma_wait3A_257] : memref<10240x128xf32, #tpu.memory_space<vmem_shared>> -> memref<128x128xf32, #tpu.memory_space<vmem_shared>>
      %dma_wait3A_259 = arith.constant 0 : i32
      %dma_wait3A_260 = arith.constant 0 : i32
      %dma_wait3A_261 = tpu.memref_slice %arg8[%run_scoped3A, %dma_wait3A_259, %dma_wait3A_260] : memref<2x128x128xf32, #tpu.memory_space<vmem>> -> memref<1x128x128xf32, #tpu.memory_space<vmem>>
      %dma_wait3A_262 = tpu.memref_squeeze %dma_wait3A_261 : memref<1x128x128xf32, #tpu.memory_space<vmem>> -> memref<128x128xf32, #tpu.memory_space<vmem>>
      tpu.wait_dma2 semaphore(%run_scoped3A_238 : memref<!tpu.dma_semaphore, #tpu.memory_space<semaphore_mem>>) src(%dma_wait3A_262 : memref<128x128xf32, #tpu.memory_space<vmem>>) dst(%dma_wait3A_258 : memref<128x128xf32, #tpu.memory_space<vmem_shared>>)
      tpu.yield
    }) : () -> ()
    %add3A_23 = arith.constant 128 : i32
    %add3A_24 = arith.addi %mul3A_2, %add3A_23 : i32
    %run_scoped3A_25 = arith.constant 0 : i32
    "tpu.region"() ({
      %run_scoped3A_238 = tpu.sem_alloc : memref<!tpu.dma_semaphore, #tpu.memory_space<semaphore_mem>>
      %dma_start3A_239 = arith.constant 0 : i32
      %dma_start3A_240 = arith.constant 0 : i32
      %dma_start3A_241 = tpu.memref_slice %arg8[%run_scoped3A_25, %dma_start3A_239, %dma_start3A_240] : memref<2x128x128xf32, #tpu.memory_space<vmem>> -> memref<1x128x128xf32, #tpu.memory_space<vmem>>
      %dma_start3A_242 = tpu.memref_squeeze %dma_start3A_241 : memref<1x128x128xf32, #tpu.memory_space<vmem>> -> memref<128x128xf32, #tpu.memory_space<vmem>>
      %dma_start3A_243 = arith.constant 0 : i32
      %dma_start3A_244 = tpu.memref_slice %arg9[%add3A_24, %dma_start3A_243] : memref<10240x128xf32, #tpu.memory_space<vmem_shared>> -> memref<128x128xf32, #tpu.memory_space<vmem_shared>>
      %dma_start3A_245 = arith.constant 0 : i32
      %dma_start3A_246 = tpu.memref_slice %arg9[%add3A_24, %dma_start3A_245] : memref<10240x128xf32, #tpu.memory_space<vmem_shared>> -> memref<128x128xf32, #tpu.memory_space<vmem_shared>>
      %dma_start3A_247 = arith.constant 0 : i32
      %dma_start3A_248 = arith.constant 0 : i32
      %dma_start3A_249 = tpu.memref_slice %arg8[%run_scoped3A_25, %dma_start3A_247, %dma_start3A_248] : memref<2x128x128xf32, #tpu.memory_space<vmem>> -> memref<1x128x128xf32, #tpu.memory_space<vmem>>
      %dma_start3A_250 = tpu.memref_squeeze %dma_start3A_249 : memref<1x128x128xf32, #tpu.memory_space<vmem>> -> memref<128x128xf32, #tpu.memory_space<vmem>>
      tpu.enqueue_dma source(%dma_start3A_250 : memref<128x128xf32, #tpu.memory_space<vmem>>) target(%dma_start3A_246 : memref<128x128xf32, #tpu.memory_space<vmem_shared>>) target_semaphore(%run_scoped3A_238 : memref<!tpu.dma_semaphore, #tpu.memory_space<semaphore_mem>>)
      %dma_wait3A_251 = arith.constant 0 : i32
      %dma_wait3A_252 = arith.constant 0 : i32
      %dma_wait3A_253 = tpu.memref_slice %arg8[%run_scoped3A_25, %dma_wait3A_251, %dma_wait3A_252] : memref<2x128x128xf32, #tpu.memory_space<vmem>> -> memref<1x128x128xf32, #tpu.memory_space<vmem>>
      %dma_wait3A_254 = tpu.memref_squeeze %dma_wait3A_253 : memref<1x128x128xf32, #tpu.memory_space<vmem>> -> memref<128x128xf32, #tpu.memory_space<vmem>>
      %dma_wait3A_255 = arith.constant 0 : i32
      %dma_wait3A_256 = tpu.memref_slice %arg9[%add3A_24, %dma_wait3A_255] : memref<10240x128xf32, #tpu.memory_space<vmem_shared>> -> memref<128x128xf32, #tpu.memory_space<vmem_shared>>
      %dma_wait3A_257 = arith.constant 0 : i32
      %dma_wait3A_258 = tpu.memref_slice %arg9[%add3A_24, %dma_wait3A_257] : memref<10240x128xf32, #tpu.memory_space<vmem_shared>> -> memref<128x128xf32, #tpu.memory_space<vmem_shared>>
      %dma_wait3A_259 = arith.constant 0 : i32
      %dma_wait3A_260 = arith.constant 0 : i32
      %dma_wait3A_261 = tpu.memref_slice %arg8[%run_scoped3A_25, %dma_wait3A_259, %dma_wait3A_260] : memref<2x128x128xf32, #tpu.memory_space<vmem>> -> memref<1x128x128xf32, #tpu.memory_space<vmem>>
      %dma_wait3A_262 = tpu.memref_squeeze %dma_wait3A_261 : memref<1x128x128xf32, #tpu.memory_space<vmem>> -> memref<128x128xf32, #tpu.memory_space<vmem>>
      tpu.wait_dma2 semaphore(%run_scoped3A_238 : memref<!tpu.dma_semaphore, #tpu.memory_space<semaphore_mem>>) src(%dma_wait3A_262 : memref<128x128xf32, #tpu.memory_space<vmem>>) dst(%dma_wait3A_258 : memref<128x128xf32, #tpu.memory_space<vmem_shared>>)
      tpu.yield
    }) : () -> ()
    %add3A_26 = arith.constant 256 : i32
    %add3A_27 = arith.addi %mul3A_2, %add3A_26 : i32
    %run_scoped3A_28 = arith.constant 0 : i32
    "tpu.region"() ({
      %run_scoped3A_238 = tpu.sem_alloc : memref<!tpu.dma_semaphore, #tpu.memory_space<semaphore_mem>>
      %dma_start3A_239 = arith.constant 0 : i32
      %dma_start3A_240 = arith.constant 0 : i32
      %dma_start3A_241 = tpu.memref_slice %arg8[%run_scoped3A_28, %dma_start3A_239, %dma_start3A_240] : memref<2x128x128xf32, #tpu.memory_space<vmem>> -> memref<1x128x128xf32, #tpu.memory_space<vmem>>
      %dma_start3A_242 = tpu.memref_squeeze %dma_start3A_241 : memref<1x128x128xf32, #tpu.memory_space<vmem>> -> memref<128x128xf32, #tpu.memory_space<vmem>>
      %dma_start3A_243 = arith.constant 0 : i32
      %dma_start3A_244 = tpu.memref_slice %arg9[%add3A_27, %dma_start3A_243] : memref<10240x128xf32, #tpu.memory_space<vmem_shared>> -> memref<128x128xf32, #tpu.memory_space<vmem_shared>>
      %dma_start3A_245 = arith.constant 0 : i32
      %dma_start3A_246 = tpu.memref_slice %arg9[%add3A_27, %dma_start3A_245] : memref<10240x128xf32, #tpu.memory_space<vmem_shared>> -> memref<128x128xf32, #tpu.memory_space<vmem_shared>>
      %dma_start3A_247 = arith.constant 0 : i32
      %dma_start3A_248 = arith.constant 0 : i32
      %dma_start3A_249 = tpu.memref_slice %arg8[%run_scoped3A_28, %dma_start3A_247, %dma_start3A_248] : memref<2x128x128xf32, #tpu.memory_space<vmem>> -> memref<1x128x128xf32, #tpu.memory_space<vmem>>
      %dma_start3A_250 = tpu.memref_squeeze %dma_start3A_249 : memref<1x128x128xf32, #tpu.memory_space<vmem>> -> memref<128x128xf32, #tpu.memory_space<vmem>>
      tpu.enqueue_dma source(%dma_start3A_250 : memref<128x128xf32, #tpu.memory_space<vmem>>) target(%dma_start3A_246 : memref<128x128xf32, #tpu.memory_space<vmem_shared>>) target_semaphore(%run_scoped3A_238 : memref<!tpu.dma_semaphore, #tpu.memory_space<semaphore_mem>>)
      %dma_wait3A_251 = arith.constant 0 : i32
      %dma_wait3A_252 = arith.constant 0 : i32
      %dma_wait3A_253 = tpu.memref_slice %arg8[%run_scoped3A_28, %dma_wait3A_251, %dma_wait3A_252] : memref<2x128x128xf32, #tpu.memory_space<vmem>> -> memref<1x128x128xf32, #tpu.memory_space<vmem>>
      %dma_wait3A_254 = tpu.memref_squeeze %dma_wait3A_253 : memref<1x128x128xf32, #tpu.memory_space<vmem>> -> memref<128x128xf32, #tpu.memory_space<vmem>>
      %dma_wait3A_255 = arith.constant 0 : i32
      %dma_wait3A_256 = tpu.memref_slice %arg9[%add3A_27, %dma_wait3A_255] : memref<10240x128xf32, #tpu.memory_space<vmem_shared>> -> memref<128x128xf32, #tpu.memory_space<vmem_shared>>
      %dma_wait3A_257 = arith.constant 0 : i32
      %dma_wait3A_258 = tpu.memref_slice %arg9[%add3A_27, %dma_wait3A_257] : memref<10240x128xf32, #tpu.memory_space<vmem_shared>> -> memref<128x128xf32, #tpu.memory_space<vmem_shared>>
      %dma_wait3A_259 = arith.constant 0 : i32
      %dma_wait3A_260 = arith.constant 0 : i32
      %dma_wait3A_261 = tpu.memref_slice %arg8[%run_scoped3A_28, %dma_wait3A_259, %dma_wait3A_260] : memref<2x128x128xf32, #tpu.memory_space<vmem>> -> memref<1x128x128xf32, #tpu.memory_space<vmem>>
      %dma_wait3A_262 = tpu.memref_squeeze %dma_wait3A_261 : memref<1x128x128xf32, #tpu.memory_space<vmem>> -> memref<128x128xf32, #tpu.memory_space<vmem>>
      tpu.wait_dma2 semaphore(%run_scoped3A_238 : memref<!tpu.dma_semaphore, #tpu.memory_space<semaphore_mem>>) src(%dma_wait3A_262 : memref<128x128xf32, #tpu.memory_space<vmem>>) dst(%dma_wait3A_258 : memref<128x128xf32, #tpu.memory_space<vmem_shared>>)
      tpu.yield
    }) : () -> ()
    %add3A_29 = arith.constant 384 : i32
    %add3A_30 = arith.addi %mul3A_2, %add3A_29 : i32
    %run_scoped3A_31 = arith.constant 0 : i32
    "tpu.region"() ({
      %run_scoped3A_238 = tpu.sem_alloc : memref<!tpu.dma_semaphore, #tpu.memory_space<semaphore_mem>>
      %dma_start3A_239 = arith.constant 0 : i32
      %dma_start3A_240 = arith.constant 0 : i32
      %dma_start3A_241 = tpu.memref_slice %arg8[%run_scoped3A_31, %dma_start3A_239, %dma_start3A_240] : memref<2x128x128xf32, #tpu.memory_space<vmem>> -> memref<1x128x128xf32, #tpu.memory_space<vmem>>
      %dma_start3A_242 = tpu.memref_squeeze %dma_start3A_241 : memref<1x128x128xf32, #tpu.memory_space<vmem>> -> memref<128x128xf32, #tpu.memory_space<vmem>>
      %dma_start3A_243 = arith.constant 0 : i32
      %dma_start3A_244 = tpu.memref_slice %arg9[%add3A_30, %dma_start3A_243] : memref<10240x128xf32, #tpu.memory_space<vmem_shared>> -> memref<128x128xf32, #tpu.memory_space<vmem_shared>>
      %dma_start3A_245 = arith.constant 0 : i32
      %dma_start3A_246 = tpu.memref_slice %arg9[%add3A_30, %dma_start3A_245] : memref<10240x128xf32, #tpu.memory_space<vmem_shared>> -> memref<128x128xf32, #tpu.memory_space<vmem_shared>>
      %dma_start3A_247 = arith.constant 0 : i32
      %dma_start3A_248 = arith.constant 0 : i32
      %dma_start3A_249 = tpu.memref_slice %arg8[%run_scoped3A_31, %dma_start3A_247, %dma_start3A_248] : memref<2x128x128xf32, #tpu.memory_space<vmem>> -> memref<1x128x128xf32, #tpu.memory_space<vmem>>
      %dma_start3A_250 = tpu.memref_squeeze %dma_start3A_249 : memref<1x128x128xf32, #tpu.memory_space<vmem>> -> memref<128x128xf32, #tpu.memory_space<vmem>>
      tpu.enqueue_dma source(%dma_start3A_250 : memref<128x128xf32, #tpu.memory_space<vmem>>) target(%dma_start3A_246 : memref<128x128xf32, #tpu.memory_space<vmem_shared>>) target_semaphore(%run_scoped3A_238 : memref<!tpu.dma_semaphore, #tpu.memory_space<semaphore_mem>>)
      %dma_wait3A_251 = arith.constant 0 : i32
      %dma_wait3A_252 = arith.constant 0 : i32
      %dma_wait3A_253 = tpu.memref_slice %arg8[%run_scoped3A_31, %dma_wait3A_251, %dma_wait3A_252] : memref<2x128x128xf32, #tpu.memory_space<vmem>> -> memref<1x128x128xf32, #tpu.memory_space<vmem>>
      %dma_wait3A_254 = tpu.memref_squeeze %dma_wait3A_253 : memref<1x128x128xf32, #tpu.memory_space<vmem>> -> memref<128x128xf32, #tpu.memory_space<vmem>>
      %dma_wait3A_255 = arith.constant 0 : i32
      %dma_wait3A_256 = tpu.memref_slice %arg9[%add3A_30, %dma_wait3A_255] : memref<10240x128xf32, #tpu.memory_space<vmem_shared>> -> memref<128x128xf32, #tpu.memory_space<vmem_shared>>
      %dma_wait3A_257 = arith.constant 0 : i32
      %dma_wait3A_258 = tpu.memref_slice %arg9[%add3A_30, %dma_wait3A_257] : memref<10240x128xf32, #tpu.memory_space<vmem_shared>> -> memref<128x128xf32, #tpu.memory_space<vmem_shared>>
      %dma_wait3A_259 = arith.constant 0 : i32
      %dma_wait3A_260 = arith.constant 0 : i32
      %dma_wait3A_261 = tpu.memref_slice %arg8[%run_scoped3A_31, %dma_wait3A_259, %dma_wait3A_260] : memref<2x128x128xf32, #tpu.memory_space<vmem>> -> memref<1x128x128xf32, #tpu.memory_space<vmem>>
      %dma_wait3A_262 = tpu.memref_squeeze %dma_wait3A_261 : memref<1x128x128xf32, #tpu.memory_space<vmem>> -> memref<128x128xf32, #tpu.memory_space<vmem>>
      tpu.wait_dma2 semaphore(%run_scoped3A_238 : memref<!tpu.dma_semaphore, #tpu.memory_space<semaphore_mem>>) src(%dma_wait3A_262 : memref<128x128xf32, #tpu.memory_space<vmem>>) dst(%dma_wait3A_258 : memref<128x128xf32, #tpu.memory_space<vmem_shared>>)
      tpu.yield
    }) : () -> ()
    %add3A_32 = arith.constant 512 : i32
    %add3A_33 = arith.addi %mul3A_2, %add3A_32 : i32
    %run_scoped3A_34 = arith.constant 0 : i32
    "tpu.region"() ({
      %run_scoped3A_238 = tpu.sem_alloc : memref<!tpu.dma_semaphore, #tpu.memory_space<semaphore_mem>>
      %dma_start3A_239 = arith.constant 0 : i32
      %dma_start3A_240 = arith.constant 0 : i32
      %dma_start3A_241 = tpu.memref_slice %arg8[%run_scoped3A_34, %dma_start3A_239, %dma_start3A_240] : memref<2x128x128xf32, #tpu.memory_space<vmem>> -> memref<1x128x128xf32, #tpu.memory_space<vmem>>
      %dma_start3A_242 = tpu.memref_squeeze %dma_start3A_241 : memref<1x128x128xf32, #tpu.memory_space<vmem>> -> memref<128x128xf32, #tpu.memory_space<vmem>>
      %dma_start3A_243 = arith.constant 0 : i32
      %dma_start3A_244 = tpu.memref_slice %arg9[%add3A_33, %dma_start3A_243] : memref<10240x128xf32, #tpu.memory_space<vmem_shared>> -> memref<128x128xf32, #tpu.memory_space<vmem_shared>>
      %dma_start3A_245 = arith.constant 0 : i32
      %dma_start3A_246 = tpu.memref_slice %arg9[%add3A_33, %dma_start3A_245] : memref<10240x128xf32, #tpu.memory_space<vmem_shared>> -> memref<128x128xf32, #tpu.memory_space<vmem_shared>>
      %dma_start3A_247 = arith.constant 0 : i32
      %dma_start3A_248 = arith.constant 0 : i32
      %dma_start3A_249 = tpu.memref_slice %arg8[%run_scoped3A_34, %dma_start3A_247, %dma_start3A_248] : memref<2x128x128xf32, #tpu.memory_space<vmem>> -> memref<1x128x128xf32, #tpu.memory_space<vmem>>
      %dma_start3A_250 = tpu.memref_squeeze %dma_start3A_249 : memref<1x128x128xf32, #tpu.memory_space<vmem>> -> memref<128x128xf32, #tpu.memory_space<vmem>>
      tpu.enqueue_dma source(%dma_start3A_250 : memref<128x128xf32, #tpu.memory_space<vmem>>) target(%dma_start3A_246 : memref<128x128xf32, #tpu.memory_space<vmem_shared>>) target_semaphore(%run_scoped3A_238 : memref<!tpu.dma_semaphore, #tpu.memory_space<semaphore_mem>>)
      %dma_wait3A_251 = arith.constant 0 : i32
      %dma_wait3A_252 = arith.constant 0 : i32
      %dma_wait3A_253 = tpu.memref_slice %arg8[%run_scoped3A_34, %dma_wait3A_251, %dma_wait3A_252] : memref<2x128x128xf32, #tpu.memory_space<vmem>> -> memref<1x128x128xf32, #tpu.memory_space<vmem>>
      %dma_wait3A_254 = tpu.memref_squeeze %dma_wait3A_253 : memref<1x128x128xf32, #tpu.memory_space<vmem>> -> memref<128x128xf32, #tpu.memory_space<vmem>>
      %dma_wait3A_255 = arith.constant 0 : i32
      %dma_wait3A_256 = tpu.memref_slice %arg9[%add3A_33, %dma_wait3A_255] : memref<10240x128xf32, #tpu.memory_space<vmem_shared>> -> memref<128x128xf32, #tpu.memory_space<vmem_shared>>
      %dma_wait3A_257 = arith.constant 0 : i32
      %dma_wait3A_258 = tpu.memref_slice %arg9[%add3A_33, %dma_wait3A_257] : memref<10240x128xf32, #tpu.memory_space<vmem_shared>> -> memref<128x128xf32, #tpu.memory_space<vmem_shared>>
      %dma_wait3A_259 = arith.constant 0 : i32
      %dma_wait3A_260 = arith.constant 0 : i32
      %dma_wait3A_261 = tpu.memref_slice %arg8[%run_scoped3A_34, %dma_wait3A_259, %dma_wait3A_260] : memref<2x128x128xf32, #tpu.memory_space<vmem>> -> memref<1x128x128xf32, #tpu.memory_space<vmem>>
      %dma_wait3A_262 = tpu.memref_squeeze %dma_wait3A_261 : memref<1x128x128xf32, #tpu.memory_space<vmem>> -> memref<128x128xf32, #tpu.memory_space<vmem>>
      tpu.wait_dma2 semaphore(%run_scoped3A_238 : memref<!tpu.dma_semaphore, #tpu.memory_space<semaphore_mem>>) src(%dma_wait3A_262 : memref<128x128xf32, #tpu.memory_space<vmem>>) dst(%dma_wait3A_258 : memref<128x128xf32, #tpu.memory_space<vmem_shared>>)
      tpu.yield
    }) : () -> ()
    %barrier3A = arith.constant 0 : index
    tpu.barrier barrier_id(%barrier3A)
    %dma_start3A = arith.constant 0 : i32
    %dma_start3A_35 = tpu.memref_slice %arg3[%add3A, %dma_start3A] : memref<32x10240xi32, #tpu.memory_space<hbm>> -> memref<1x5120xi32, #tpu.memory_space<hbm>>
    %dma_start3A_36 = tpu.memref_squeeze %dma_start3A_35 : memref<1x5120xi32, #tpu.memory_space<hbm>> -> memref<5120xi32, #tpu.memory_space<hbm>>
    %dma_start3A_37 = tpu.memref_slice %arg3[%add3A, %dma_start3A] : memref<32x10240xi32, #tpu.memory_space<hbm>> -> memref<1x5120xi32, #tpu.memory_space<hbm>>
    %dma_start3A_38 = tpu.memref_squeeze %dma_start3A_37 : memref<1x5120xi32, #tpu.memory_space<hbm>> -> memref<5120xi32, #tpu.memory_space<hbm>>
    tpu.enqueue_dma source(%dma_start3A_38 : memref<5120xi32, #tpu.memory_space<hbm>>) target(%arg6 : memref<5120xi32, #tpu.memory_space<vmem>>) target_semaphore(%arg10 : memref<!tpu.dma_semaphore, #tpu.memory_space<semaphore_mem>>)
    %dma_start3A_39 = arith.constant 0 : i32
    %dma_start3A_40 = arith.constant 0 : i32
    %dma_start3A_41 = tpu.memref_slice %arg4[%add3A, %dma_start3A_39, %dma_start3A_40] : memref<32x80x128xi32, #tpu.memory_space<hbm>> -> memref<1x40x128xi32, #tpu.memory_space<hbm>>
    %dma_start3A_42 = tpu.memref_squeeze %dma_start3A_41 : memref<1x40x128xi32, #tpu.memory_space<hbm>> -> memref<40x128xi32, #tpu.memory_space<hbm>>
    %dma_start3A_43 = arith.constant 0 : i32
    %dma_start3A_44 = tpu.memref_slice %arg4[%add3A, %dma_start3A_39, %dma_start3A_43] : memref<32x80x128xi32, #tpu.memory_space<hbm>> -> memref<1x40x128xi32, #tpu.memory_space<hbm>>
    %dma_start3A_45 = tpu.memref_squeeze %dma_start3A_44 : memref<1x40x128xi32, #tpu.memory_space<hbm>> -> memref<40x128xi32, #tpu.memory_space<hbm>>
    tpu.enqueue_dma source(%dma_start3A_45 : memref<40x128xi32, #tpu.memory_space<hbm>>) target(%arg7 : memref<40x128xi32, #tpu.memory_space<vmem>>) target_semaphore(%arg10 : memref<!tpu.dma_semaphore, #tpu.memory_space<semaphore_mem>>)
    %dma_wait3A = arith.constant 0 : i32
    %dma_wait3A_46 = tpu.memref_slice %arg3[%add3A, %dma_wait3A] : memref<32x10240xi32, #tpu.memory_space<hbm>> -> memref<1x5120xi32, #tpu.memory_space<hbm>>
    %dma_wait3A_47 = tpu.memref_squeeze %dma_wait3A_46 : memref<1x5120xi32, #tpu.memory_space<hbm>> -> memref<5120xi32, #tpu.memory_space<hbm>>
    %dma_wait3A_48 = tpu.memref_slice %arg3[%add3A, %dma_wait3A] : memref<32x10240xi32, #tpu.memory_space<hbm>> -> memref<1x5120xi32, #tpu.memory_space<hbm>>
    %dma_wait3A_49 = tpu.memref_squeeze %dma_wait3A_48 : memref<1x5120xi32, #tpu.memory_space<hbm>> -> memref<5120xi32, #tpu.memory_space<hbm>>
    tpu.wait_dma2 semaphore(%arg10 : memref<!tpu.dma_semaphore, #tpu.memory_space<semaphore_mem>>) src(%dma_wait3A_49 : memref<5120xi32, #tpu.memory_space<hbm>>) dst(%arg6 : memref<5120xi32, #tpu.memory_space<vmem>>)
    %dma_wait3A_50 = arith.constant 0 : i32
    %dma_wait3A_51 = arith.constant 0 : i32
    %dma_wait3A_52 = tpu.memref_slice %arg4[%add3A, %dma_wait3A_50, %dma_wait3A_51] : memref<32x80x128xi32, #tpu.memory_space<hbm>> -> memref<1x40x128xi32, #tpu.memory_space<hbm>>
    %dma_wait3A_53 = tpu.memref_squeeze %dma_wait3A_52 : memref<1x40x128xi32, #tpu.memory_space<hbm>> -> memref<40x128xi32, #tpu.memory_space<hbm>>
    %dma_wait3A_54 = arith.constant 0 : i32
    %dma_wait3A_55 = tpu.memref_slice %arg4[%add3A, %dma_wait3A_50, %dma_wait3A_54] : memref<32x80x128xi32, #tpu.memory_space<hbm>> -> memref<1x40x128xi32, #tpu.memory_space<hbm>>
    %dma_wait3A_56 = tpu.memref_squeeze %dma_wait3A_55 : memref<1x40x128xi32, #tpu.memory_space<hbm>> -> memref<40x128xi32, #tpu.memory_space<hbm>>
    tpu.wait_dma2 semaphore(%arg10 : memref<!tpu.dma_semaphore, #tpu.memory_space<semaphore_mem>>) src(%dma_wait3A_56 : memref<40x128xi32, #tpu.memory_space<hbm>>) dst(%arg7 : memref<40x128xi32, #tpu.memory_space<vmem>>)
    %mul3A_57 = arith.constant 0 : i32
    %mul3A_58 = arith.constant 128 : i32
    %mul3A_59 = arith.muli %mul3A_57, %mul3A_58 : i32
    %dma_start3A_60 = arith.constant 0 : i32
    %dma_start3A_61 = arith.constant 0 : i32
    %dma_start3A_62 = arith.constant 0 : i32
    %dma_start3A_63 = tpu.memref_slice %arg8[%dma_start3A_60, %dma_start3A_61, %dma_start3A_62] : memref<2x128x128xf32, #tpu.memory_space<vmem>> -> memref<1x128x128xf32, #tpu.memory_space<vmem>>
    %dma_start3A_64 = tpu.memref_squeeze %dma_start3A_63 : memref<1x128x128xf32, #tpu.memory_space<vmem>> -> memref<128x128xf32, #tpu.memory_space<vmem>>
    %dma_start3A_65 = tpu.memref_slice %arg6[%mul3A_59] : memref<5120xi32, #tpu.memory_space<vmem>> -> memref<128xi32, #tpu.memory_space<vmem>>
    %dma_start3A_66 = arith.constant 0 : i32
    %dma_start3A_67 = arith.constant 0 : i32
    %dma_start3A_68 = tpu.memref_slice %arg2[%dma_start3A_66, %dma_start3A_67] : memref<10240x128xf32, #tpu.memory_space<hbm>> -> memref<10240x128xf32, #tpu.memory_space<hbm>>
    tpu.enqueue_indirect_dma source(%dma_start3A_68 : memref<10240x128xf32, #tpu.memory_space<hbm>>) target(%dma_start3A_64 : memref<128x128xf32, #tpu.memory_space<vmem>>) offsets(%dma_start3A_65 : memref<128xi32, #tpu.memory_space<vmem>>) semaphore(%arg11 : memref<!tpu.dma_semaphore, #tpu.memory_space<semaphore_mem>>)
    %sub3A_69 = arith.constant 19 : i32
    %sub3A_70 = arith.constant 0 : i32
    %sub3A_71 = arith.subi %sub3A_69, %sub3A_70 : i32
    %sub3A_72 = arith.constant 1 : i32
    %sub3A_73 = arith.constant 1 : i32
    %sub3A_74 = arith.subi %sub3A_72, %sub3A_73 : i32
    %add3A_75 = arith.addi %sub3A_71, %sub3A_74 : i32
    %div3A_76 = arith.constant 1 : i32
    %div3A_77 = arith.divsi %add3A_75, %div3A_76 : i32
    %while3A_78 = arith.constant 1 : i32
    %while3A_79 = arith.constant 0 : i32
    %while3A_80 = arith.constant 0 : i32
    %while3A_81 = arith.subi %div3A_77, %while3A_80 : i32
    %while3A_82 = arith.addi %while3A_80, %while3A_81 : i32
    %while3A_83 = arith.constant 1 : i32
    %while3A_84 = arith.divsi %while3A_81, %while3A_83 : i32
    %while3A_85 = arith.muli %while3A_84, %while3A_83 : i32
    %while3A_86 = arith.addi %while3A_80, %while3A_85 : i32
    %while3A_87 = arith.constant 1 : i32
    scf.for %while3A_238 = %while3A_80 to %while3A_86 step %while3A_87  : i32 {
      %mul3A_239 = arith.muli %while3A_238, %while3A_78 : i32
      %add3A_240 = arith.addi %while3A_79, %mul3A_239 : i32
      %mul3A_241 = arith.constant 2 : i32
      %mul3A_242 = arith.muli %add3A_240, %mul3A_241 : i32
      %mul3A_243 = arith.constant 128 : i32
      %mul3A_244 = arith.muli %mul3A_242, %mul3A_243 : i32
      %dma_wait3A_245 = arith.constant 0 : i32
      %dma_wait3A_246 = arith.constant 0 : i32
      %dma_wait3A_247 = arith.constant 0 : i32
      %dma_wait3A_248 = tpu.memref_slice %arg8[%dma_wait3A_245, %dma_wait3A_246, %dma_wait3A_247] : memref<2x128x128xf32, #tpu.memory_space<vmem>> -> memref<1x128x128xf32, #tpu.memory_space<vmem>>
      %dma_wait3A_249 = tpu.memref_squeeze %dma_wait3A_248 : memref<1x128x128xf32, #tpu.memory_space<vmem>> -> memref<128x128xf32, #tpu.memory_space<vmem>>
      %dma_wait3A_250 = tpu.memref_slice %arg6[%mul3A_244] : memref<5120xi32, #tpu.memory_space<vmem>> -> memref<128xi32, #tpu.memory_space<vmem>>
      %dma_wait3A_251 = arith.constant 0 : i32
      %dma_wait3A_252 = arith.constant 0 : i32
      %dma_wait3A_253 = tpu.memref_slice %arg2[%dma_wait3A_251, %dma_wait3A_252] : memref<10240x128xf32, #tpu.memory_space<hbm>> -> memref<10240x128xf32, #tpu.memory_space<hbm>>
      tpu.wait_indirect_dma semaphore(%arg11 : memref<!tpu.dma_semaphore, #tpu.memory_space<semaphore_mem>>) src(%dma_wait3A_253 : memref<10240x128xf32, #tpu.memory_space<hbm>>) dst(%dma_wait3A_249 : memref<128x128xf32, #tpu.memory_space<vmem>>)
      %add3A_254 = arith.constant 1 : i32
      %add3A_255 = arith.addi %mul3A_242, %add3A_254 : i32
      %mul3A_256 = arith.constant 128 : i32
      %mul3A_257 = arith.muli %add3A_255, %mul3A_256 : i32
      %dma_start3A_258 = arith.constant 1 : i32
      %dma_start3A_259 = arith.constant 0 : i32
      %dma_start3A_260 = arith.constant 0 : i32
      %dma_start3A_261 = tpu.memref_slice %arg8[%dma_start3A_258, %dma_start3A_259, %dma_start3A_260] : memref<2x128x128xf32, #tpu.memory_space<vmem>> -> memref<1x128x128xf32, #tpu.memory_space<vmem>>
      %dma_start3A_262 = tpu.memref_squeeze %dma_start3A_261 : memref<1x128x128xf32, #tpu.memory_space<vmem>> -> memref<128x128xf32, #tpu.memory_space<vmem>>
      %dma_start3A_263 = tpu.memref_slice %arg6[%mul3A_257] : memref<5120xi32, #tpu.memory_space<vmem>> -> memref<128xi32, #tpu.memory_space<vmem>>
      %dma_start3A_264 = arith.constant 0 : i32
      %dma_start3A_265 = arith.constant 0 : i32
      %dma_start3A_266 = tpu.memref_slice %arg2[%dma_start3A_264, %dma_start3A_265] : memref<10240x128xf32, #tpu.memory_space<hbm>> -> memref<10240x128xf32, #tpu.memory_space<hbm>>
      tpu.enqueue_indirect_dma source(%dma_start3A_266 : memref<10240x128xf32, #tpu.memory_space<hbm>>) target(%dma_start3A_262 : memref<128x128xf32, #tpu.memory_space<vmem>>) offsets(%dma_start3A_263 : memref<128xi32, #tpu.memory_space<vmem>>) semaphore(%arg12 : memref<!tpu.dma_semaphore, #tpu.memory_space<semaphore_mem>>)
      %run_scoped3A_267 = arith.constant 0 : i32
      "tpu.region"() ({
        %run_scoped3A_297 = tpu.sem_alloc : memref<!tpu.dma_semaphore, #tpu.memory_space<semaphore_mem>>
        %dma_start3A_298 = arith.constant 0 : i32
        %dma_start3A_299 = arith.constant 0 : i32
        %dma_start3A_300 = tpu.memref_slice %arg8[%run_scoped3A_267, %dma_start3A_298, %dma_start3A_299] : memref<2x128x128xf32, #tpu.memory_space<vmem>> -> memref<1x128x128xf32, #tpu.memory_space<vmem>>
        %dma_start3A_301 = tpu.memref_squeeze %dma_start3A_300 : memref<1x128x128xf32, #tpu.memory_space<vmem>> -> memref<128x128xf32, #tpu.memory_space<vmem>>
        %dma_start3A_302 = arith.constant 0 : i32
        %dma_start3A_303 = tpu.memref_slice %arg7[%mul3A_242, %dma_start3A_302] : memref<40x128xi32, #tpu.memory_space<vmem>> -> memref<1x128xi32, #tpu.memory_space<vmem>>
        %dma_start3A_304 = tpu.memref_squeeze %dma_start3A_303 : memref<1x128xi32, #tpu.memory_space<vmem>> -> memref<128xi32, #tpu.memory_space<vmem>>
        %dma_start3A_305 = arith.constant 0 : i32
        %dma_start3A_306 = arith.constant 0 : i32
        %dma_start3A_307 = tpu.memref_slice %arg9[%dma_start3A_305, %dma_start3A_306] : memref<10240x128xf32, #tpu.memory_space<vmem_shared>> -> memref<10240x128xf32, #tpu.memory_space<vmem_shared>>
        tpu.enqueue_indirect_dma source(%dma_start3A_301 : memref<128x128xf32, #tpu.memory_space<vmem>>) target(%dma_start3A_307 : memref<10240x128xf32, #tpu.memory_space<vmem_shared>>) offsets(%dma_start3A_304 : memref<128xi32, #tpu.memory_space<vmem>>) semaphore(%run_scoped3A_297 : memref<!tpu.dma_semaphore, #tpu.memory_space<semaphore_mem>>) {add = true}
        %dma_wait3A_308 = arith.constant 0 : i32
        %dma_wait3A_309 = arith.constant 0 : i32
        %dma_wait3A_310 = tpu.memref_slice %arg8[%run_scoped3A_267, %dma_wait3A_308, %dma_wait3A_309] : memref<2x128x128xf32, #tpu.memory_space<vmem>> -> memref<1x128x128xf32, #tpu.memory_space<vmem>>
        %dma_wait3A_311 = tpu.memref_squeeze %dma_wait3A_310 : memref<1x128x128xf32, #tpu.memory_space<vmem>> -> memref<128x128xf32, #tpu.memory_space<vmem>>
        %dma_wait3A_312 = arith.constant 0 : i32
        %dma_wait3A_313 = tpu.memref_slice %arg7[%mul3A_242, %dma_wait3A_312] : memref<40x128xi32, #tpu.memory_space<vmem>> -> memref<1x128xi32, #tpu.memory_space<vmem>>
        %dma_wait3A_314 = tpu.memref_squeeze %dma_wait3A_313 : memref<1x128xi32, #tpu.memory_space<vmem>> -> memref<128xi32, #tpu.memory_space<vmem>>
        %dma_wait3A_315 = arith.constant 0 : i32
        %dma_wait3A_316 = arith.constant 0 : i32
        %dma_wait3A_317 = tpu.memref_slice %arg9[%dma_wait3A_315, %dma_wait3A_316] : memref<10240x128xf32, #tpu.memory_space<vmem_shared>> -> memref<10240x128xf32, #tpu.memory_space<vmem_shared>>
        tpu.wait_indirect_dma semaphore(%run_scoped3A_297 : memref<!tpu.dma_semaphore, #tpu.memory_space<semaphore_mem>>) src(%dma_wait3A_311 : memref<128x128xf32, #tpu.memory_space<vmem>>) dst(%dma_wait3A_317 : memref<10240x128xf32, #tpu.memory_space<vmem_shared>>)
        tpu.yield
      }) : () -> ()
      %add3A_268 = arith.constant 1 : i32
      %add3A_269 = arith.addi %mul3A_242, %add3A_268 : i32
      %mul3A_270 = arith.constant 128 : i32
      %mul3A_271 = arith.muli %add3A_269, %mul3A_270 : i32
      %dma_wait3A_272 = arith.constant 1 : i32
      %dma_wait3A_273 = arith.constant 0 : i32
      %dma_wait3A_274 = arith.constant 0 : i32
      %dma_wait3A_275 = tpu.memref_slice %arg8[%dma_wait3A_272, %dma_wait3A_273, %dma_wait3A_274] : memref<2x128x128xf32, #tpu.memory_space<vmem>> -> memref<1x128x128xf32, #tpu.memory_space<vmem>>
      %dma_wait3A_276 = tpu.memref_squeeze %dma_wait3A_275 : memref<1x128x128xf32, #tpu.memory_space<vmem>> -> memref<128x128xf32, #tpu.memory_space<vmem>>
      %dma_wait3A_277 = tpu.memref_slice %arg6[%mul3A_271] : memref<5120xi32, #tpu.memory_space<vmem>> -> memref<128xi32, #tpu.memory_space<vmem>>
      %dma_wait3A_278 = arith.constant 0 : i32
      %dma_wait3A_279 = arith.constant 0 : i32
      %dma_wait3A_280 = tpu.memref_slice %arg2[%dma_wait3A_278, %dma_wait3A_279] : memref<10240x128xf32, #tpu.memory_space<hbm>> -> memref<10240x128xf32, #tpu.memory_space<hbm>>
      tpu.wait_indirect_dma semaphore(%arg12 : memref<!tpu.dma_semaphore, #tpu.memory_space<semaphore_mem>>) src(%dma_wait3A_280 : memref<10240x128xf32, #tpu.memory_space<hbm>>) dst(%dma_wait3A_276 : memref<128x128xf32, #tpu.memory_space<vmem>>)
      %add3A_281 = arith.constant 2 : i32
      %add3A_282 = arith.addi %mul3A_242, %add3A_281 : i32
      %mul3A_283 = arith.constant 128 : i32
      %mul3A_284 = arith.muli %add3A_282, %mul3A_283 : i32
      %dma_start3A_285 = arith.constant 0 : i32
      %dma_start3A_286 = arith.constant 0 : i32
      %dma_start3A_287 = arith.constant 0 : i32
      %dma_start3A_288 = tpu.memref_slice %arg8[%dma_start3A_285, %dma_start3A_286, %dma_start3A_287] : memref<2x128x128xf32, #tpu.memory_space<vmem>> -> memref<1x128x128xf32, #tpu.memory_space<vmem>>
      %dma_start3A_289 = tpu.memref_squeeze %dma_start3A_288 : memref<1x128x128xf32, #tpu.memory_space<vmem>> -> memref<128x128xf32, #tpu.memory_space<vmem>>
      %dma_start3A_290 = tpu.memref_slice %arg6[%mul3A_284] : memref<5120xi32, #tpu.memory_space<vmem>> -> memref<128xi32, #tpu.memory_space<vmem>>
      %dma_start3A_291 = arith.constant 0 : i32
      %dma_start3A_292 = arith.constant 0 : i32
      %dma_start3A_293 = tpu.memref_slice %arg2[%dma_start3A_291, %dma_start3A_292] : memref<10240x128xf32, #tpu.memory_space<hbm>> -> memref<10240x128xf32, #tpu.memory_space<hbm>>
      tpu.enqueue_indirect_dma source(%dma_start3A_293 : memref<10240x128xf32, #tpu.memory_space<hbm>>) target(%dma_start3A_289 : memref<128x128xf32, #tpu.memory_space<vmem>>) offsets(%dma_start3A_290 : memref<128xi32, #tpu.memory_space<vmem>>) semaphore(%arg11 : memref<!tpu.dma_semaphore, #tpu.memory_space<semaphore_mem>>)
      %add3A_294 = arith.constant 1 : i32
      %add3A_295 = arith.addi %mul3A_242, %add3A_294 : i32
      %run_scoped3A_296 = arith.constant 1 : i32
      "tpu.region"() ({
        %run_scoped3A_297 = tpu.sem_alloc : memref<!tpu.dma_semaphore, #tpu.memory_space<semaphore_mem>>
        %dma_start3A_298 = arith.constant 0 : i32
        %dma_start3A_299 = arith.constant 0 : i32
        %dma_start3A_300 = tpu.memref_slice %arg8[%run_scoped3A_296, %dma_start3A_298, %dma_start3A_299] : memref<2x128x128xf32, #tpu.memory_space<vmem>> -> memref<1x128x128xf32, #tpu.memory_space<vmem>>
        %dma_start3A_301 = tpu.memref_squeeze %dma_start3A_300 : memref<1x128x128xf32, #tpu.memory_space<vmem>> -> memref<128x128xf32, #tpu.memory_space<vmem>>
        %dma_start3A_302 = arith.constant 0 : i32
        %dma_start3A_303 = tpu.memref_slice %arg7[%add3A_295, %dma_start3A_302] : memref<40x128xi32, #tpu.memory_space<vmem>> -> memref<1x128xi32, #tpu.memory_space<vmem>>
        %dma_start3A_304 = tpu.memref_squeeze %dma_start3A_303 : memref<1x128xi32, #tpu.memory_space<vmem>> -> memref<128xi32, #tpu.memory_space<vmem>>
        %dma_start3A_305 = arith.constant 0 : i32
        %dma_start3A_306 = arith.constant 0 : i32
        %dma_start3A_307 = tpu.memref_slice %arg9[%dma_start3A_305, %dma_start3A_306] : memref<10240x128xf32, #tpu.memory_space<vmem_shared>> -> memref<10240x128xf32, #tpu.memory_space<vmem_shared>>
        tpu.enqueue_indirect_dma source(%dma_start3A_301 : memref<128x128xf32, #tpu.memory_space<vmem>>) target(%dma_start3A_307 : memref<10240x128xf32, #tpu.memory_space<vmem_shared>>) offsets(%dma_start3A_304 : memref<128xi32, #tpu.memory_space<vmem>>) semaphore(%run_scoped3A_297 : memref<!tpu.dma_semaphore, #tpu.memory_space<semaphore_mem>>) {add = true}
        %dma_wait3A_308 = arith.constant 0 : i32
        %dma_wait3A_309 = arith.constant 0 : i32
        %dma_wait3A_310 = tpu.memref_slice %arg8[%run_scoped3A_296, %dma_wait3A_308, %dma_wait3A_309] : memref<2x128x128xf32, #tpu.memory_space<vmem>> -> memref<1x128x128xf32, #tpu.memory_space<vmem>>
        %dma_wait3A_311 = tpu.memref_squeeze %dma_wait3A_310 : memref<1x128x128xf32, #tpu.memory_space<vmem>> -> memref<128x128xf32, #tpu.memory_space<vmem>>
        %dma_wait3A_312 = arith.constant 0 : i32
        %dma_wait3A_313 = tpu.memref_slice %arg7[%add3A_295, %dma_wait3A_312] : memref<40x128xi32, #tpu.memory_space<vmem>> -> memref<1x128xi32, #tpu.memory_space<vmem>>
        %dma_wait3A_314 = tpu.memref_squeeze %dma_wait3A_313 : memref<1x128xi32, #tpu.memory_space<vmem>> -> memref<128xi32, #tpu.memory_space<vmem>>
        %dma_wait3A_315 = arith.constant 0 : i32
        %dma_wait3A_316 = arith.constant 0 : i32
        %dma_wait3A_317 = tpu.memref_slice %arg9[%dma_wait3A_315, %dma_wait3A_316] : memref<10240x128xf32, #tpu.memory_space<vmem_shared>> -> memref<10240x128xf32, #tpu.memory_space<vmem_shared>>
        tpu.wait_indirect_dma semaphore(%run_scoped3A_297 : memref<!tpu.dma_semaphore, #tpu.memory_space<semaphore_mem>>) src(%dma_wait3A_311 : memref<128x128xf32, #tpu.memory_space<vmem>>) dst(%dma_wait3A_317 : memref<10240x128xf32, #tpu.memory_space<vmem_shared>>)
        tpu.yield
      }) : () -> ()
    }
    %while3A_88 = arith.constant 1 : i32
    scf.for %while3A_238 = %while3A_86 to %while3A_82 step %while3A_88  : i32 {
      %mul3A_239 = arith.muli %while3A_238, %while3A_78 : i32
      %add3A_240 = arith.addi %while3A_79, %mul3A_239 : i32
      %mul3A_241 = arith.constant 2 : i32
      %mul3A_242 = arith.muli %add3A_240, %mul3A_241 : i32
      %mul3A_243 = arith.constant 128 : i32
      %mul3A_244 = arith.muli %mul3A_242, %mul3A_243 : i32
      %dma_wait3A_245 = arith.constant 0 : i32
      %dma_wait3A_246 = arith.constant 0 : i32
      %dma_wait3A_247 = arith.constant 0 : i32
      %dma_wait3A_248 = tpu.memref_slice %arg8[%dma_wait3A_245, %dma_wait3A_246, %dma_wait3A_247] : memref<2x128x128xf32, #tpu.memory_space<vmem>> -> memref<1x128x128xf32, #tpu.memory_space<vmem>>
      %dma_wait3A_249 = tpu.memref_squeeze %dma_wait3A_248 : memref<1x128x128xf32, #tpu.memory_space<vmem>> -> memref<128x128xf32, #tpu.memory_space<vmem>>
      %dma_wait3A_250 = tpu.memref_slice %arg6[%mul3A_244] : memref<5120xi32, #tpu.memory_space<vmem>> -> memref<128xi32, #tpu.memory_space<vmem>>
      %dma_wait3A_251 = arith.constant 0 : i32
      %dma_wait3A_252 = arith.constant 0 : i32
      %dma_wait3A_253 = tpu.memref_slice %arg2[%dma_wait3A_251, %dma_wait3A_252] : memref<10240x128xf32, #tpu.memory_space<hbm>> -> memref<10240x128xf32, #tpu.memory_space<hbm>>
      tpu.wait_indirect_dma semaphore(%arg11 : memref<!tpu.dma_semaphore, #tpu.memory_space<semaphore_mem>>) src(%dma_wait3A_253 : memref<10240x128xf32, #tpu.memory_space<hbm>>) dst(%dma_wait3A_249 : memref<128x128xf32, #tpu.memory_space<vmem>>)
      %add3A_254 = arith.constant 1 : i32
      %add3A_255 = arith.addi %mul3A_242, %add3A_254 : i32
      %mul3A_256 = arith.constant 128 : i32
      %mul3A_257 = arith.muli %add3A_255, %mul3A_256 : i32
      %dma_start3A_258 = arith.constant 1 : i32
      %dma_start3A_259 = arith.constant 0 : i32
      %dma_start3A_260 = arith.constant 0 : i32
      %dma_start3A_261 = tpu.memref_slice %arg8[%dma_start3A_258, %dma_start3A_259, %dma_start3A_260] : memref<2x128x128xf32, #tpu.memory_space<vmem>> -> memref<1x128x128xf32, #tpu.memory_space<vmem>>
      %dma_start3A_262 = tpu.memref_squeeze %dma_start3A_261 : memref<1x128x128xf32, #tpu.memory_space<vmem>> -> memref<128x128xf32, #tpu.memory_space<vmem>>
      %dma_start3A_263 = tpu.memref_slice %arg6[%mul3A_257] : memref<5120xi32, #tpu.memory_space<vmem>> -> memref<128xi32, #tpu.memory_space<vmem>>
      %dma_start3A_264 = arith.constant 0 : i32
      %dma_start3A_265 = arith.constant 0 : i32
      %dma_start3A_266 = tpu.memref_slice %arg2[%dma_start3A_264, %dma_start3A_265] : memref<10240x128xf32, #tpu.memory_space<hbm>> -> memref<10240x128xf32, #tpu.memory_space<hbm>>
      tpu.enqueue_indirect_dma source(%dma_start3A_266 : memref<10240x128xf32, #tpu.memory_space<hbm>>) target(%dma_start3A_262 : memref<128x128xf32, #tpu.memory_space<vmem>>) offsets(%dma_start3A_263 : memref<128xi32, #tpu.memory_space<vmem>>) semaphore(%arg12 : memref<!tpu.dma_semaphore, #tpu.memory_space<semaphore_mem>>)
      %run_scoped3A_267 = arith.constant 0 : i32
      "tpu.region"() ({
        %run_scoped3A_297 = tpu.sem_alloc : memref<!tpu.dma_semaphore, #tpu.memory_space<semaphore_mem>>
        %dma_start3A_298 = arith.constant 0 : i32
        %dma_start3A_299 = arith.constant 0 : i32
        %dma_start3A_300 = tpu.memref_slice %arg8[%run_scoped3A_267, %dma_start3A_298, %dma_start3A_299] : memref<2x128x128xf32, #tpu.memory_space<vmem>> -> memref<1x128x128xf32, #tpu.memory_space<vmem>>
        %dma_start3A_301 = tpu.memref_squeeze %dma_start3A_300 : memref<1x128x128xf32, #tpu.memory_space<vmem>> -> memref<128x128xf32, #tpu.memory_space<vmem>>
        %dma_start3A_302 = arith.constant 0 : i32
        %dma_start3A_303 = tpu.memref_slice %arg7[%mul3A_242, %dma_start3A_302] : memref<40x128xi32, #tpu.memory_space<vmem>> -> memref<1x128xi32, #tpu.memory_space<vmem>>
        %dma_start3A_304 = tpu.memref_squeeze %dma_start3A_303 : memref<1x128xi32, #tpu.memory_space<vmem>> -> memref<128xi32, #tpu.memory_space<vmem>>
        %dma_start3A_305 = arith.constant 0 : i32
        %dma_start3A_306 = arith.constant 0 : i32
        %dma_start3A_307 = tpu.memref_slice %arg9[%dma_start3A_305, %dma_start3A_306] : memref<10240x128xf32, #tpu.memory_space<vmem_shared>> -> memref<10240x128xf32, #tpu.memory_space<vmem_shared>>
        tpu.enqueue_indirect_dma source(%dma_start3A_301 : memref<128x128xf32, #tpu.memory_space<vmem>>) target(%dma_start3A_307 : memref<10240x128xf32, #tpu.memory_space<vmem_shared>>) offsets(%dma_start3A_304 : memref<128xi32, #tpu.memory_space<vmem>>) semaphore(%run_scoped3A_297 : memref<!tpu.dma_semaphore, #tpu.memory_space<semaphore_mem>>) {add = true}
        %dma_wait3A_308 = arith.constant 0 : i32
        %dma_wait3A_309 = arith.constant 0 : i32
        %dma_wait3A_310 = tpu.memref_slice %arg8[%run_scoped3A_267, %dma_wait3A_308, %dma_wait3A_309] : memref<2x128x128xf32, #tpu.memory_space<vmem>> -> memref<1x128x128xf32, #tpu.memory_space<vmem>>
        %dma_wait3A_311 = tpu.memref_squeeze %dma_wait3A_310 : memref<1x128x128xf32, #tpu.memory_space<vmem>> -> memref<128x128xf32, #tpu.memory_space<vmem>>
        %dma_wait3A_312 = arith.constant 0 : i32
        %dma_wait3A_313 = tpu.memref_slice %arg7[%mul3A_242, %dma_wait3A_312] : memref<40x128xi32, #tpu.memory_space<vmem>> -> memref<1x128xi32, #tpu.memory_space<vmem>>
        %dma_wait3A_314 = tpu.memref_squeeze %dma_wait3A_313 : memref<1x128xi32, #tpu.memory_space<vmem>> -> memref<128xi32, #tpu.memory_space<vmem>>
        %dma_wait3A_315 = arith.constant 0 : i32
        %dma_wait3A_316 = arith.constant 0 : i32
        %dma_wait3A_317 = tpu.memref_slice %arg9[%dma_wait3A_315, %dma_wait3A_316] : memref<10240x128xf32, #tpu.memory_space<vmem_shared>> -> memref<10240x128xf32, #tpu.memory_space<vmem_shared>>
        tpu.wait_indirect_dma semaphore(%run_scoped3A_297 : memref<!tpu.dma_semaphore, #tpu.memory_space<semaphore_mem>>) src(%dma_wait3A_311 : memref<128x128xf32, #tpu.memory_space<vmem>>) dst(%dma_wait3A_317 : memref<10240x128xf32, #tpu.memory_space<vmem_shared>>)
        tpu.yield
      }) : () -> ()
      %add3A_268 = arith.constant 1 : i32
      %add3A_269 = arith.addi %mul3A_242, %add3A_268 : i32
      %mul3A_270 = arith.constant 128 : i32
      %mul3A_271 = arith.muli %add3A_269, %mul3A_270 : i32
      %dma_wait3A_272 = arith.constant 1 : i32
      %dma_wait3A_273 = arith.constant 0 : i32
      %dma_wait3A_274 = arith.constant 0 : i32
      %dma_wait3A_275 = tpu.memref_slice %arg8[%dma_wait3A_272, %dma_wait3A_273, %dma_wait3A_274] : memref<2x128x128xf32, #tpu.memory_space<vmem>> -> memref<1x128x128xf32, #tpu.memory_space<vmem>>
      %dma_wait3A_276 = tpu.memref_squeeze %dma_wait3A_275 : memref<1x128x128xf32, #tpu.memory_space<vmem>> -> memref<128x128xf32, #tpu.memory_space<vmem>>
      %dma_wait3A_277 = tpu.memref_slice %arg6[%mul3A_271] : memref<5120xi32, #tpu.memory_space<vmem>> -> memref<128xi32, #tpu.memory_space<vmem>>
      %dma_wait3A_278 = arith.constant 0 : i32
      %dma_wait3A_279 = arith.constant 0 : i32
      %dma_wait3A_280 = tpu.memref_slice %arg2[%dma_wait3A_278, %dma_wait3A_279] : memref<10240x128xf32, #tpu.memory_space<hbm>> -> memref<10240x128xf32, #tpu.memory_space<hbm>>
      tpu.wait_indirect_dma semaphore(%arg12 : memref<!tpu.dma_semaphore, #tpu.memory_space<semaphore_mem>>) src(%dma_wait3A_280 : memref<10240x128xf32, #tpu.memory_space<hbm>>) dst(%dma_wait3A_276 : memref<128x128xf32, #tpu.memory_space<vmem>>)
      %add3A_281 = arith.constant 2 : i32
      %add3A_282 = arith.addi %mul3A_242, %add3A_281 : i32
      %mul3A_283 = arith.constant 128 : i32
      %mul3A_284 = arith.muli %add3A_282, %mul3A_283 : i32
      %dma_start3A_285 = arith.constant 0 : i32
      %dma_start3A_286 = arith.constant 0 : i32
      %dma_start3A_287 = arith.constant 0 : i32
      %dma_start3A_288 = tpu.memref_slice %arg8[%dma_start3A_285, %dma_start3A_286, %dma_start3A_287] : memref<2x128x128xf32, #tpu.memory_space<vmem>> -> memref<1x128x128xf32, #tpu.memory_space<vmem>>
      %dma_start3A_289 = tpu.memref_squeeze %dma_start3A_288 : memref<1x128x128xf32, #tpu.memory_space<vmem>> -> memref<128x128xf32, #tpu.memory_space<vmem>>
      %dma_start3A_290 = tpu.memref_slice %arg6[%mul3A_284] : memref<5120xi32, #tpu.memory_space<vmem>> -> memref<128xi32, #tpu.memory_space<vmem>>
      %dma_start3A_291 = arith.constant 0 : i32
      %dma_start3A_292 = arith.constant 0 : i32
      %dma_start3A_293 = tpu.memref_slice %arg2[%dma_start3A_291, %dma_start3A_292] : memref<10240x128xf32, #tpu.memory_space<hbm>> -> memref<10240x128xf32, #tpu.memory_space<hbm>>
      tpu.enqueue_indirect_dma source(%dma_start3A_293 : memref<10240x128xf32, #tpu.memory_space<hbm>>) target(%dma_start3A_289 : memref<128x128xf32, #tpu.memory_space<vmem>>) offsets(%dma_start3A_290 : memref<128xi32, #tpu.memory_space<vmem>>) semaphore(%arg11 : memref<!tpu.dma_semaphore, #tpu.memory_space<semaphore_mem>>)
      %add3A_294 = arith.constant 1 : i32
      %add3A_295 = arith.addi %mul3A_242, %add3A_294 : i32
      %run_scoped3A_296 = arith.constant 1 : i32
      "tpu.region"() ({
        %run_scoped3A_297 = tpu.sem_alloc : memref<!tpu.dma_semaphore, #tpu.memory_space<semaphore_mem>>
        %dma_start3A_298 = arith.constant 0 : i32
        %dma_start3A_299 = arith.constant 0 : i32
        %dma_start3A_300 = tpu.memref_slice %arg8[%run_scoped3A_296, %dma_start3A_298, %dma_start3A_299] : memref<2x128x128xf32, #tpu.memory_space<vmem>> -> memref<1x128x128xf32, #tpu.memory_space<vmem>>
        %dma_start3A_301 = tpu.memref_squeeze %dma_start3A_300 : memref<1x128x128xf32, #tpu.memory_space<vmem>> -> memref<128x128xf32, #tpu.memory_space<vmem>>
        %dma_start3A_302 = arith.constant 0 : i32
        %dma_start3A_303 = tpu.memref_slice %arg7[%add3A_295, %dma_start3A_302] : memref<40x128xi32, #tpu.memory_space<vmem>> -> memref<1x128xi32, #tpu.memory_space<vmem>>
        %dma_start3A_304 = tpu.memref_squeeze %dma_start3A_303 : memref<1x128xi32, #tpu.memory_space<vmem>> -> memref<128xi32, #tpu.memory_space<vmem>>
        %dma_start3A_305 = arith.constant 0 : i32
        %dma_start3A_306 = arith.constant 0 : i32
        %dma_start3A_307 = tpu.memref_slice %arg9[%dma_start3A_305, %dma_start3A_306] : memref<10240x128xf32, #tpu.memory_space<vmem_shared>> -> memref<10240x128xf32, #tpu.memory_space<vmem_shared>>
        tpu.enqueue_indirect_dma source(%dma_start3A_301 : memref<128x128xf32, #tpu.memory_space<vmem>>) target(%dma_start3A_307 : memref<10240x128xf32, #tpu.memory_space<vmem_shared>>) offsets(%dma_start3A_304 : memref<128xi32, #tpu.memory_space<vmem>>) semaphore(%run_scoped3A_297 : memref<!tpu.dma_semaphore, #tpu.memory_space<semaphore_mem>>) {add = true}
        %dma_wait3A_308 = arith.constant 0 : i32
        %dma_wait3A_309 = arith.constant 0 : i32
        %dma_wait3A_310 = tpu.memref_slice %arg8[%run_scoped3A_296, %dma_wait3A_308, %dma_wait3A_309] : memref<2x128x128xf32, #tpu.memory_space<vmem>> -> memref<1x128x128xf32, #tpu.memory_space<vmem>>
        %dma_wait3A_311 = tpu.memref_squeeze %dma_wait3A_310 : memref<1x128x128xf32, #tpu.memory_space<vmem>> -> memref<128x128xf32, #tpu.memory_space<vmem>>
        %dma_wait3A_312 = arith.constant 0 : i32
        %dma_wait3A_313 = tpu.memref_slice %arg7[%add3A_295, %dma_wait3A_312] : memref<40x128xi32, #tpu.memory_space<vmem>> -> memref<1x128xi32, #tpu.memory_space<vmem>>
        %dma_wait3A_314 = tpu.memref_squeeze %dma_wait3A_313 : memref<1x128xi32, #tpu.memory_space<vmem>> -> memref<128xi32, #tpu.memory_space<vmem>>
        %dma_wait3A_315 = arith.constant 0 : i32
        %dma_wait3A_316 = arith.constant 0 : i32
        %dma_wait3A_317 = tpu.memref_slice %arg9[%dma_wait3A_315, %dma_wait3A_316] : memref<10240x128xf32, #tpu.memory_space<vmem_shared>> -> memref<10240x128xf32, #tpu.memory_space<vmem_shared>>
        tpu.wait_indirect_dma semaphore(%run_scoped3A_297 : memref<!tpu.dma_semaphore, #tpu.memory_space<semaphore_mem>>) src(%dma_wait3A_311 : memref<128x128xf32, #tpu.memory_space<vmem>>) dst(%dma_wait3A_317 : memref<10240x128xf32, #tpu.memory_space<vmem_shared>>)
        tpu.yield
      }) : () -> ()
    }
    %mul3A_89 = arith.constant 38 : i32
    %mul3A_90 = arith.constant 128 : i32
    %mul3A_91 = arith.muli %mul3A_89, %mul3A_90 : i32
    %dma_wait3A_92 = arith.constant 0 : i32
    %dma_wait3A_93 = arith.constant 0 : i32
    %dma_wait3A_94 = arith.constant 0 : i32
    %dma_wait3A_95 = tpu.memref_slice %arg8[%dma_wait3A_92, %dma_wait3A_93, %dma_wait3A_94] : memref<2x128x128xf32, #tpu.memory_space<vmem>> -> memref<1x128x128xf32, #tpu.memory_space<vmem>>
    %dma_wait3A_96 = tpu.memref_squeeze %dma_wait3A_95 : memref<1x128x128xf32, #tpu.memory_space<vmem>> -> memref<128x128xf32, #tpu.memory_space<vmem>>
    %dma_wait3A_97 = tpu.memref_slice %arg6[%mul3A_91] : memref<5120xi32, #tpu.memory_space<vmem>> -> memref<128xi32, #tpu.memory_space<vmem>>
    %dma_wait3A_98 = arith.constant 0 : i32
    %dma_wait3A_99 = arith.constant 0 : i32
    %dma_wait3A_100 = tpu.memref_slice %arg2[%dma_wait3A_98, %dma_wait3A_99] : memref<10240x128xf32, #tpu.memory_space<hbm>> -> memref<10240x128xf32, #tpu.memory_space<hbm>>
    tpu.wait_indirect_dma semaphore(%arg11 : memref<!tpu.dma_semaphore, #tpu.memory_space<semaphore_mem>>) src(%dma_wait3A_100 : memref<10240x128xf32, #tpu.memory_space<hbm>>) dst(%dma_wait3A_96 : memref<128x128xf32, #tpu.memory_space<vmem>>)
    %add3A_101 = arith.constant 38 : i32
    %add3A_102 = arith.constant 1 : i32
    %add3A_103 = arith.addi %add3A_101, %add3A_102 : i32
    %mul3A_104 = arith.constant 128 : i32
    %mul3A_105 = arith.muli %add3A_103, %mul3A_104 : i32
    %dma_start3A_106 = arith.constant 1 : i32
    %dma_start3A_107 = arith.constant 0 : i32
    %dma_start3A_108 = arith.constant 0 : i32
    %dma_start3A_109 = tpu.memref_slice %arg8[%dma_start3A_106, %dma_start3A_107, %dma_start3A_108] : memref<2x128x128xf32, #tpu.memory_space<vmem>> -> memref<1x128x128xf32, #tpu.memory_space<vmem>>
    %dma_start3A_110 = tpu.memref_squeeze %dma_start3A_109 : memref<1x128x128xf32, #tpu.memory_space<vmem>> -> memref<128x128xf32, #tpu.memory_space<vmem>>
    %dma_start3A_111 = tpu.memref_slice %arg6[%mul3A_105] : memref<5120xi32, #tpu.memory_space<vmem>> -> memref<128xi32, #tpu.memory_space<vmem>>
    %dma_start3A_112 = arith.constant 0 : i32
    %dma_start3A_113 = arith.constant 0 : i32
    %dma_start3A_114 = tpu.memref_slice %arg2[%dma_start3A_112, %dma_start3A_113] : memref<10240x128xf32, #tpu.memory_space<hbm>> -> memref<10240x128xf32, #tpu.memory_space<hbm>>
    tpu.enqueue_indirect_dma source(%dma_start3A_114 : memref<10240x128xf32, #tpu.memory_space<hbm>>) target(%dma_start3A_110 : memref<128x128xf32, #tpu.memory_space<vmem>>) offsets(%dma_start3A_111 : memref<128xi32, #tpu.memory_space<vmem>>) semaphore(%arg12 : memref<!tpu.dma_semaphore, #tpu.memory_space<semaphore_mem>>)
    %run_scoped3A_115 = arith.constant 0 : i32
    %run_scoped3A_116 = arith.constant 38 : i32
    "tpu.region"() ({
      %run_scoped3A_238 = tpu.sem_alloc : memref<!tpu.dma_semaphore, #tpu.memory_space<semaphore_mem>>
      %dma_start3A_239 = arith.constant 0 : i32
      %dma_start3A_240 = arith.constant 0 : i32
      %dma_start3A_241 = tpu.memref_slice %arg8[%run_scoped3A_115, %dma_start3A_239, %dma_start3A_240] : memref<2x128x128xf32, #tpu.memory_space<vmem>> -> memref<1x128x128xf32, #tpu.memory_space<vmem>>
      %dma_start3A_242 = tpu.memref_squeeze %dma_start3A_241 : memref<1x128x128xf32, #tpu.memory_space<vmem>> -> memref<128x128xf32, #tpu.memory_space<vmem>>
      %dma_start3A_243 = arith.constant 0 : i32
      %dma_start3A_244 = tpu.memref_slice %arg7[%run_scoped3A_116, %dma_start3A_243] : memref<40x128xi32, #tpu.memory_space<vmem>> -> memref<1x128xi32, #tpu.memory_space<vmem>>
      %dma_start3A_245 = tpu.memref_squeeze %dma_start3A_244 : memref<1x128xi32, #tpu.memory_space<vmem>> -> memref<128xi32, #tpu.memory_space<vmem>>
      %dma_start3A_246 = arith.constant 0 : i32
      %dma_start3A_247 = arith.constant 0 : i32
      %dma_start3A_248 = tpu.memref_slice %arg9[%dma_start3A_246, %dma_start3A_247] : memref<10240x128xf32, #tpu.memory_space<vmem_shared>> -> memref<10240x128xf32, #tpu.memory_space<vmem_shared>>
      tpu.enqueue_indirect_dma source(%dma_start3A_242 : memref<128x128xf32, #tpu.memory_space<vmem>>) target(%dma_start3A_248 : memref<10240x128xf32, #tpu.memory_space<vmem_shared>>) offsets(%dma_start3A_245 : memref<128xi32, #tpu.memory_space<vmem>>) semaphore(%run_scoped3A_238 : memref<!tpu.dma_semaphore, #tpu.memory_space<semaphore_mem>>) {add = true}
      %dma_wait3A_249 = arith.constant 0 : i32
      %dma_wait3A_250 = arith.constant 0 : i32
      %dma_wait3A_251 = tpu.memref_slice %arg8[%run_scoped3A_115, %dma_wait3A_249, %dma_wait3A_250] : memref<2x128x128xf32, #tpu.memory_space<vmem>> -> memref<1x128x128xf32, #tpu.memory_space<vmem>>
      %dma_wait3A_252 = tpu.memref_squeeze %dma_wait3A_251 : memref<1x128x128xf32, #tpu.memory_space<vmem>> -> memref<128x128xf32, #tpu.memory_space<vmem>>
      %dma_wait3A_253 = arith.constant 0 : i32
      %dma_wait3A_254 = tpu.memref_slice %arg7[%run_scoped3A_116, %dma_wait3A_253] : memref<40x128xi32, #tpu.memory_space<vmem>> -> memref<1x128xi32, #tpu.memory_space<vmem>>
      %dma_wait3A_255 = tpu.memref_squeeze %dma_wait3A_254 : memref<1x128xi32, #tpu.memory_space<vmem>> -> memref<128xi32, #tpu.memory_space<vmem>>
      %dma_wait3A_256 = arith.constant 0 : i32
      %dma_wait3A_257 = arith.constant 0 : i32
      %dma_wait3A_258 = tpu.memref_slice %arg9[%dma_wait3A_256, %dma_wait3A_257] : memref<10240x128xf32, #tpu.memory_space<vmem_shared>> -> memref<10240x128xf32, #tpu.memory_space<vmem_shared>>
      tpu.wait_indirect_dma semaphore(%run_scoped3A_238 : memref<!tpu.dma_semaphore, #tpu.memory_space<semaphore_mem>>) src(%dma_wait3A_252 : memref<128x128xf32, #tpu.memory_space<vmem>>) dst(%dma_wait3A_258 : memref<10240x128xf32, #tpu.memory_space<vmem_shared>>)
      tpu.yield
    }) : () -> ()
    %add3A_117 = arith.constant 38 : i32
    %add3A_118 = arith.constant 1 : i32
    %add3A_119 = arith.addi %add3A_117, %add3A_118 : i32
    %mul3A_120 = arith.constant 128 : i32
    %mul3A_121 = arith.muli %add3A_119, %mul3A_120 : i32
    %dma_wait3A_122 = arith.constant 1 : i32
    %dma_wait3A_123 = arith.constant 0 : i32
    %dma_wait3A_124 = arith.constant 0 : i32
    %dma_wait3A_125 = tpu.memref_slice %arg8[%dma_wait3A_122, %dma_wait3A_123, %dma_wait3A_124] : memref<2x128x128xf32, #tpu.memory_space<vmem>> -> memref<1x128x128xf32, #tpu.memory_space<vmem>>
    %dma_wait3A_126 = tpu.memref_squeeze %dma_wait3A_125 : memref<1x128x128xf32, #tpu.memory_space<vmem>> -> memref<128x128xf32, #tpu.memory_space<vmem>>
    %dma_wait3A_127 = tpu.memref_slice %arg6[%mul3A_121] : memref<5120xi32, #tpu.memory_space<vmem>> -> memref<128xi32, #tpu.memory_space<vmem>>
    %dma_wait3A_128 = arith.constant 0 : i32
    %dma_wait3A_129 = arith.constant 0 : i32
    %dma_wait3A_130 = tpu.memref_slice %arg2[%dma_wait3A_128, %dma_wait3A_129] : memref<10240x128xf32, #tpu.memory_space<hbm>> -> memref<10240x128xf32, #tpu.memory_space<hbm>>
    tpu.wait_indirect_dma semaphore(%arg12 : memref<!tpu.dma_semaphore, #tpu.memory_space<semaphore_mem>>) src(%dma_wait3A_130 : memref<10240x128xf32, #tpu.memory_space<hbm>>) dst(%dma_wait3A_126 : memref<128x128xf32, #tpu.memory_space<vmem>>)
    %add3A_131 = arith.constant 38 : i32
    %add3A_132 = arith.constant 1 : i32
    %add3A_133 = arith.addi %add3A_131, %add3A_132 : i32
    %run_scoped3A_134 = arith.constant 1 : i32
    "tpu.region"() ({
      %run_scoped3A_238 = tpu.sem_alloc : memref<!tpu.dma_semaphore, #tpu.memory_space<semaphore_mem>>
      %dma_start3A_239 = arith.constant 0 : i32
      %dma_start3A_240 = arith.constant 0 : i32
      %dma_start3A_241 = tpu.memref_slice %arg8[%run_scoped3A_134, %dma_start3A_239, %dma_start3A_240] : memref<2x128x128xf32, #tpu.memory_space<vmem>> -> memref<1x128x128xf32, #tpu.memory_space<vmem>>
      %dma_start3A_242 = tpu.memref_squeeze %dma_start3A_241 : memref<1x128x128xf32, #tpu.memory_space<vmem>> -> memref<128x128xf32, #tpu.memory_space<vmem>>
      %dma_start3A_243 = arith.constant 0 : i32
      %dma_start3A_244 = tpu.memref_slice %arg7[%add3A_133, %dma_start3A_243] : memref<40x128xi32, #tpu.memory_space<vmem>> -> memref<1x128xi32, #tpu.memory_space<vmem>>
      %dma_start3A_245 = tpu.memref_squeeze %dma_start3A_244 : memref<1x128xi32, #tpu.memory_space<vmem>> -> memref<128xi32, #tpu.memory_space<vmem>>
      %dma_start3A_246 = arith.constant 0 : i32
      %dma_start3A_247 = arith.constant 0 : i32
      %dma_start3A_248 = tpu.memref_slice %arg9[%dma_start3A_246, %dma_start3A_247] : memref<10240x128xf32, #tpu.memory_space<vmem_shared>> -> memref<10240x128xf32, #tpu.memory_space<vmem_shared>>
      tpu.enqueue_indirect_dma source(%dma_start3A_242 : memref<128x128xf32, #tpu.memory_space<vmem>>) target(%dma_start3A_248 : memref<10240x128xf32, #tpu.memory_space<vmem_shared>>) offsets(%dma_start3A_245 : memref<128xi32, #tpu.memory_space<vmem>>) semaphore(%run_scoped3A_238 : memref<!tpu.dma_semaphore, #tpu.memory_space<semaphore_mem>>) {add = true}
      %dma_wait3A_249 = arith.constant 0 : i32
      %dma_wait3A_250 = arith.constant 0 : i32
      %dma_wait3A_251 = tpu.memref_slice %arg8[%run_scoped3A_134, %dma_wait3A_249, %dma_wait3A_250] : memref<2x128x128xf32, #tpu.memory_space<vmem>> -> memref<1x128x128xf32, #tpu.memory_space<vmem>>
      %dma_wait3A_252 = tpu.memref_squeeze %dma_wait3A_251 : memref<1x128x128xf32, #tpu.memory_space<vmem>> -> memref<128x128xf32, #tpu.memory_space<vmem>>
      %dma_wait3A_253 = arith.constant 0 : i32
      %dma_wait3A_254 = tpu.memref_slice %arg7[%add3A_133, %dma_wait3A_253] : memref<40x128xi32, #tpu.memory_space<vmem>> -> memref<1x128xi32, #tpu.memory_space<vmem>>
      %dma_wait3A_255 = tpu.memref_squeeze %dma_wait3A_254 : memref<1x128xi32, #tpu.memory_space<vmem>> -> memref<128xi32, #tpu.memory_space<vmem>>
      %dma_wait3A_256 = arith.constant 0 : i32
      %dma_wait3A_257 = arith.constant 0 : i32
      %dma_wait3A_258 = tpu.memref_slice %arg9[%dma_wait3A_256, %dma_wait3A_257] : memref<10240x128xf32, #tpu.memory_space<vmem_shared>> -> memref<10240x128xf32, #tpu.memory_space<vmem_shared>>
      tpu.wait_indirect_dma semaphore(%run_scoped3A_238 : memref<!tpu.dma_semaphore, #tpu.memory_space<semaphore_mem>>) src(%dma_wait3A_252 : memref<128x128xf32, #tpu.memory_space<vmem>>) dst(%dma_wait3A_258 : memref<10240x128xf32, #tpu.memory_space<vmem_shared>>)
      tpu.yield
    }) : () -> ()
    %dma_start3A_135 = arith.constant 5120 : i32
    %dma_start3A_136 = tpu.memref_slice %arg3[%add3A, %dma_start3A_135] : memref<32x10240xi32, #tpu.memory_space<hbm>> -> memref<1x5120xi32, #tpu.memory_space<hbm>>
    %dma_start3A_137 = tpu.memref_squeeze %dma_start3A_136 : memref<1x5120xi32, #tpu.memory_space<hbm>> -> memref<5120xi32, #tpu.memory_space<hbm>>
    %dma_start3A_138 = tpu.memref_slice %arg3[%add3A, %dma_start3A_135] : memref<32x10240xi32, #tpu.memory_space<hbm>> -> memref<1x5120xi32, #tpu.memory_space<hbm>>
    %dma_start3A_139 = tpu.memref_squeeze %dma_start3A_138 : memref<1x5120xi32, #tpu.memory_space<hbm>> -> memref<5120xi32, #tpu.memory_space<hbm>>
    tpu.enqueue_dma source(%dma_start3A_139 : memref<5120xi32, #tpu.memory_space<hbm>>) target(%arg6 : memref<5120xi32, #tpu.memory_space<vmem>>) target_semaphore(%arg10 : memref<!tpu.dma_semaphore, #tpu.memory_space<semaphore_mem>>)
    %dma_start3A_140 = arith.constant 40 : i32
    %dma_start3A_141 = arith.constant 0 : i32
    %dma_start3A_142 = tpu.memref_slice %arg4[%add3A, %dma_start3A_140, %dma_start3A_141] : memref<32x80x128xi32, #tpu.memory_space<hbm>> -> memref<1x40x128xi32, #tpu.memory_space<hbm>>
    %dma_start3A_143 = tpu.memref_squeeze %dma_start3A_142 : memref<1x40x128xi32, #tpu.memory_space<hbm>> -> memref<40x128xi32, #tpu.memory_space<hbm>>
    %dma_start3A_144 = arith.constant 0 : i32
    %dma_start3A_145 = tpu.memref_slice %arg4[%add3A, %dma_start3A_140, %dma_start3A_144] : memref<32x80x128xi32, #tpu.memory_space<hbm>> -> memref<1x40x128xi32, #tpu.memory_space<hbm>>
    %dma_start3A_146 = tpu.memref_squeeze %dma_start3A_145 : memref<1x40x128xi32, #tpu.memory_space<hbm>> -> memref<40x128xi32, #tpu.memory_space<hbm>>
    tpu.enqueue_dma source(%dma_start3A_146 : memref<40x128xi32, #tpu.memory_space<hbm>>) target(%arg7 : memref<40x128xi32, #tpu.memory_space<vmem>>) target_semaphore(%arg10 : memref<!tpu.dma_semaphore, #tpu.memory_space<semaphore_mem>>)
    %dma_wait3A_147 = arith.constant 5120 : i32
    %dma_wait3A_148 = tpu.memref_slice %arg3[%add3A, %dma_wait3A_147] : memref<32x10240xi32, #tpu.memory_space<hbm>> -> memref<1x5120xi32, #tpu.memory_space<hbm>>
    %dma_wait3A_149 = tpu.memref_squeeze %dma_wait3A_148 : memref<1x5120xi32, #tpu.memory_space<hbm>> -> memref<5120xi32, #tpu.memory_space<hbm>>
    %dma_wait3A_150 = tpu.memref_slice %arg3[%add3A, %dma_wait3A_147] : memref<32x10240xi32, #tpu.memory_space<hbm>> -> memref<1x5120xi32, #tpu.memory_space<hbm>>
    %dma_wait3A_151 = tpu.memref_squeeze %dma_wait3A_150 : memref<1x5120xi32, #tpu.memory_space<hbm>> -> memref<5120xi32, #tpu.memory_space<hbm>>
    tpu.wait_dma2 semaphore(%arg10 : memref<!tpu.dma_semaphore, #tpu.memory_space<semaphore_mem>>) src(%dma_wait3A_151 : memref<5120xi32, #tpu.memory_space<hbm>>) dst(%arg6 : memref<5120xi32, #tpu.memory_space<vmem>>)
    %dma_wait3A_152 = arith.constant 40 : i32
    %dma_wait3A_153 = arith.constant 0 : i32
    %dma_wait3A_154 = tpu.memref_slice %arg4[%add3A, %dma_wait3A_152, %dma_wait3A_153] : memref<32x80x128xi32, #tpu.memory_space<hbm>> -> memref<1x40x128xi32, #tpu.memory_space<hbm>>
    %dma_wait3A_155 = tpu.memref_squeeze %dma_wait3A_154 : memref<1x40x128xi32, #tpu.memory_space<hbm>> -> memref<40x128xi32, #tpu.memory_space<hbm>>
    %dma_wait3A_156 = arith.constant 0 : i32
    %dma_wait3A_157 = tpu.memref_slice %arg4[%add3A, %dma_wait3A_152, %dma_wait3A_156] : memref<32x80x128xi32, #tpu.memory_space<hbm>> -> memref<1x40x128xi32, #tpu.memory_space<hbm>>
    %dma_wait3A_158 = tpu.memref_squeeze %dma_wait3A_157 : memref<1x40x128xi32, #tpu.memory_space<hbm>> -> memref<40x128xi32, #tpu.memory_space<hbm>>
    tpu.wait_dma2 semaphore(%arg10 : memref<!tpu.dma_semaphore, #tpu.memory_space<semaphore_mem>>) src(%dma_wait3A_158 : memref<40x128xi32, #tpu.memory_space<hbm>>) dst(%arg7 : memref<40x128xi32, #tpu.memory_space<vmem>>)
    %mul3A_159 = arith.constant 0 : i32
    %mul3A_160 = arith.constant 128 : i32
    %mul3A_161 = arith.muli %mul3A_159, %mul3A_160 : i32
    %dma_start3A_162 = arith.constant 0 : i32
    %dma_start3A_163 = arith.constant 0 : i32
    %dma_start3A_164 = arith.constant 0 : i32
    %dma_start3A_165 = tpu.memref_slice %arg8[%dma_start3A_162, %dma_start3A_163, %dma_start3A_164] : memref<2x128x128xf32, #tpu.memory_space<vmem>> -> memref<1x128x128xf32, #tpu.memory_space<vmem>>
    %dma_start3A_166 = tpu.memref_squeeze %dma_start3A_165 : memref<1x128x128xf32, #tpu.memory_space<vmem>> -> memref<128x128xf32, #tpu.memory_space<vmem>>
    %dma_start3A_167 = tpu.memref_slice %arg6[%mul3A_161] : memref<5120xi32, #tpu.memory_space<vmem>> -> memref<128xi32, #tpu.memory_space<vmem>>
    %dma_start3A_168 = arith.constant 0 : i32
    %dma_start3A_169 = arith.constant 0 : i32
    %dma_start3A_170 = tpu.memref_slice %arg2[%dma_start3A_168, %dma_start3A_169] : memref<10240x128xf32, #tpu.memory_space<hbm>> -> memref<10240x128xf32, #tpu.memory_space<hbm>>
    tpu.enqueue_indirect_dma source(%dma_start3A_170 : memref<10240x128xf32, #tpu.memory_space<hbm>>) target(%dma_start3A_166 : memref<128x128xf32, #tpu.memory_space<vmem>>) offsets(%dma_start3A_167 : memref<128xi32, #tpu.memory_space<vmem>>) semaphore(%arg11 : memref<!tpu.dma_semaphore, #tpu.memory_space<semaphore_mem>>)
    %sub3A_171 = arith.constant 19 : i32
    %sub3A_172 = arith.constant 0 : i32
    %sub3A_173 = arith.subi %sub3A_171, %sub3A_172 : i32
    %sub3A_174 = arith.constant 1 : i32
    %sub3A_175 = arith.constant 1 : i32
    %sub3A_176 = arith.subi %sub3A_174, %sub3A_175 : i32
    %add3A_177 = arith.addi %sub3A_173, %sub3A_176 : i32
    %div3A_178 = arith.constant 1 : i32
    %div3A_179 = arith.divsi %add3A_177, %div3A_178 : i32
    %while3A_180 = arith.constant 1 : i32
    %while3A_181 = arith.constant 0 : i32
    %while3A_182 = arith.constant 0 : i32
    %while3A_183 = arith.subi %div3A_179, %while3A_182 : i32
    %while3A_184 = arith.addi %while3A_182, %while3A_183 : i32
    %while3A_185 = arith.constant 1 : i32
    %while3A_186 = arith.divsi %while3A_183, %while3A_185 : i32
    %while3A_187 = arith.muli %while3A_186, %while3A_185 : i32
    %while3A_188 = arith.addi %while3A_182, %while3A_187 : i32
    %while3A_189 = arith.constant 1 : i32
    scf.for %while3A_238 = %while3A_182 to %while3A_188 step %while3A_189  : i32 {
      %mul3A_239 = arith.muli %while3A_238, %while3A_180 : i32
      %add3A_240 = arith.addi %while3A_181, %mul3A_239 : i32
      %mul3A_241 = arith.constant 2 : i32
      %mul3A_242 = arith.muli %add3A_240, %mul3A_241 : i32
      %mul3A_243 = arith.constant 128 : i32
      %mul3A_244 = arith.muli %mul3A_242, %mul3A_243 : i32
      %dma_wait3A_245 = arith.constant 0 : i32
      %dma_wait3A_246 = arith.constant 0 : i32
      %dma_wait3A_247 = arith.constant 0 : i32
      %dma_wait3A_248 = tpu.memref_slice %arg8[%dma_wait3A_245, %dma_wait3A_246, %dma_wait3A_247] : memref<2x128x128xf32, #tpu.memory_space<vmem>> -> memref<1x128x128xf32, #tpu.memory_space<vmem>>
      %dma_wait3A_249 = tpu.memref_squeeze %dma_wait3A_248 : memref<1x128x128xf32, #tpu.memory_space<vmem>> -> memref<128x128xf32, #tpu.memory_space<vmem>>
      %dma_wait3A_250 = tpu.memref_slice %arg6[%mul3A_244] : memref<5120xi32, #tpu.memory_space<vmem>> -> memref<128xi32, #tpu.memory_space<vmem>>
      %dma_wait3A_251 = arith.constant 0 : i32
      %dma_wait3A_252 = arith.constant 0 : i32
      %dma_wait3A_253 = tpu.memref_slice %arg2[%dma_wait3A_251, %dma_wait3A_252] : memref<10240x128xf32, #tpu.memory_space<hbm>> -> memref<10240x128xf32, #tpu.memory_space<hbm>>
      tpu.wait_indirect_dma semaphore(%arg11 : memref<!tpu.dma_semaphore, #tpu.memory_space<semaphore_mem>>) src(%dma_wait3A_253 : memref<10240x128xf32, #tpu.memory_space<hbm>>) dst(%dma_wait3A_249 : memref<128x128xf32, #tpu.memory_space<vmem>>)
      %add3A_254 = arith.constant 1 : i32
      %add3A_255 = arith.addi %mul3A_242, %add3A_254 : i32
      %mul3A_256 = arith.constant 128 : i32
      %mul3A_257 = arith.muli %add3A_255, %mul3A_256 : i32
      %dma_start3A_258 = arith.constant 1 : i32
      %dma_start3A_259 = arith.constant 0 : i32
      %dma_start3A_260 = arith.constant 0 : i32
      %dma_start3A_261 = tpu.memref_slice %arg8[%dma_start3A_258, %dma_start3A_259, %dma_start3A_260] : memref<2x128x128xf32, #tpu.memory_space<vmem>> -> memref<1x128x128xf32, #tpu.memory_space<vmem>>
      %dma_start3A_262 = tpu.memref_squeeze %dma_start3A_261 : memref<1x128x128xf32, #tpu.memory_space<vmem>> -> memref<128x128xf32, #tpu.memory_space<vmem>>
      %dma_start3A_263 = tpu.memref_slice %arg6[%mul3A_257] : memref<5120xi32, #tpu.memory_space<vmem>> -> memref<128xi32, #tpu.memory_space<vmem>>
      %dma_start3A_264 = arith.constant 0 : i32
      %dma_start3A_265 = arith.constant 0 : i32
      %dma_start3A_266 = tpu.memref_slice %arg2[%dma_start3A_264, %dma_start3A_265] : memref<10240x128xf32, #tpu.memory_space<hbm>> -> memref<10240x128xf32, #tpu.memory_space<hbm>>
      tpu.enqueue_indirect_dma source(%dma_start3A_266 : memref<10240x128xf32, #tpu.memory_space<hbm>>) target(%dma_start3A_262 : memref<128x128xf32, #tpu.memory_space<vmem>>) offsets(%dma_start3A_263 : memref<128xi32, #tpu.memory_space<vmem>>) semaphore(%arg12 : memref<!tpu.dma_semaphore, #tpu.memory_space<semaphore_mem>>)
      %run_scoped3A_267 = arith.constant 0 : i32
      "tpu.region"() ({
        %run_scoped3A_297 = tpu.sem_alloc : memref<!tpu.dma_semaphore, #tpu.memory_space<semaphore_mem>>
        %dma_start3A_298 = arith.constant 0 : i32
        %dma_start3A_299 = arith.constant 0 : i32
        %dma_start3A_300 = tpu.memref_slice %arg8[%run_scoped3A_267, %dma_start3A_298, %dma_start3A_299] : memref<2x128x128xf32, #tpu.memory_space<vmem>> -> memref<1x128x128xf32, #tpu.memory_space<vmem>>
        %dma_start3A_301 = tpu.memref_squeeze %dma_start3A_300 : memref<1x128x128xf32, #tpu.memory_space<vmem>> -> memref<128x128xf32, #tpu.memory_space<vmem>>
        %dma_start3A_302 = arith.constant 0 : i32
        %dma_start3A_303 = tpu.memref_slice %arg7[%mul3A_242, %dma_start3A_302] : memref<40x128xi32, #tpu.memory_space<vmem>> -> memref<1x128xi32, #tpu.memory_space<vmem>>
        %dma_start3A_304 = tpu.memref_squeeze %dma_start3A_303 : memref<1x128xi32, #tpu.memory_space<vmem>> -> memref<128xi32, #tpu.memory_space<vmem>>
        %dma_start3A_305 = arith.constant 0 : i32
        %dma_start3A_306 = arith.constant 0 : i32
        %dma_start3A_307 = tpu.memref_slice %arg9[%dma_start3A_305, %dma_start3A_306] : memref<10240x128xf32, #tpu.memory_space<vmem_shared>> -> memref<10240x128xf32, #tpu.memory_space<vmem_shared>>
        tpu.enqueue_indirect_dma source(%dma_start3A_301 : memref<128x128xf32, #tpu.memory_space<vmem>>) target(%dma_start3A_307 : memref<10240x128xf32, #tpu.memory_space<vmem_shared>>) offsets(%dma_start3A_304 : memref<128xi32, #tpu.memory_space<vmem>>) semaphore(%run_scoped3A_297 : memref<!tpu.dma_semaphore, #tpu.memory_space<semaphore_mem>>) {add = true}
        %dma_wait3A_308 = arith.constant 0 : i32
        %dma_wait3A_309 = arith.constant 0 : i32
        %dma_wait3A_310 = tpu.memref_slice %arg8[%run_scoped3A_267, %dma_wait3A_308, %dma_wait3A_309] : memref<2x128x128xf32, #tpu.memory_space<vmem>> -> memref<1x128x128xf32, #tpu.memory_space<vmem>>
        %dma_wait3A_311 = tpu.memref_squeeze %dma_wait3A_310 : memref<1x128x128xf32, #tpu.memory_space<vmem>> -> memref<128x128xf32, #tpu.memory_space<vmem>>
        %dma_wait3A_312 = arith.constant 0 : i32
        %dma_wait3A_313 = tpu.memref_slice %arg7[%mul3A_242, %dma_wait3A_312] : memref<40x128xi32, #tpu.memory_space<vmem>> -> memref<1x128xi32, #tpu.memory_space<vmem>>
        %dma_wait3A_314 = tpu.memref_squeeze %dma_wait3A_313 : memref<1x128xi32, #tpu.memory_space<vmem>> -> memref<128xi32, #tpu.memory_space<vmem>>
        %dma_wait3A_315 = arith.constant 0 : i32
        %dma_wait3A_316 = arith.constant 0 : i32
        %dma_wait3A_317 = tpu.memref_slice %arg9[%dma_wait3A_315, %dma_wait3A_316] : memref<10240x128xf32, #tpu.memory_space<vmem_shared>> -> memref<10240x128xf32, #tpu.memory_space<vmem_shared>>
        tpu.wait_indirect_dma semaphore(%run_scoped3A_297 : memref<!tpu.dma_semaphore, #tpu.memory_space<semaphore_mem>>) src(%dma_wait3A_311 : memref<128x128xf32, #tpu.memory_space<vmem>>) dst(%dma_wait3A_317 : memref<10240x128xf32, #tpu.memory_space<vmem_shared>>)
        tpu.yield
      }) : () -> ()
      %add3A_268 = arith.constant 1 : i32
      %add3A_269 = arith.addi %mul3A_242, %add3A_268 : i32
      %mul3A_270 = arith.constant 128 : i32
      %mul3A_271 = arith.muli %add3A_269, %mul3A_270 : i32
      %dma_wait3A_272 = arith.constant 1 : i32
      %dma_wait3A_273 = arith.constant 0 : i32
      %dma_wait3A_274 = arith.constant 0 : i32
      %dma_wait3A_275 = tpu.memref_slice %arg8[%dma_wait3A_272, %dma_wait3A_273, %dma_wait3A_274] : memref<2x128x128xf32, #tpu.memory_space<vmem>> -> memref<1x128x128xf32, #tpu.memory_space<vmem>>
      %dma_wait3A_276 = tpu.memref_squeeze %dma_wait3A_275 : memref<1x128x128xf32, #tpu.memory_space<vmem>> -> memref<128x128xf32, #tpu.memory_space<vmem>>
      %dma_wait3A_277 = tpu.memref_slice %arg6[%mul3A_271] : memref<5120xi32, #tpu.memory_space<vmem>> -> memref<128xi32, #tpu.memory_space<vmem>>
      %dma_wait3A_278 = arith.constant 0 : i32
      %dma_wait3A_279 = arith.constant 0 : i32
      %dma_wait3A_280 = tpu.memref_slice %arg2[%dma_wait3A_278, %dma_wait3A_279] : memref<10240x128xf32, #tpu.memory_space<hbm>> -> memref<10240x128xf32, #tpu.memory_space<hbm>>
      tpu.wait_indirect_dma semaphore(%arg12 : memref<!tpu.dma_semaphore, #tpu.memory_space<semaphore_mem>>) src(%dma_wait3A_280 : memref<10240x128xf32, #tpu.memory_space<hbm>>) dst(%dma_wait3A_276 : memref<128x128xf32, #tpu.memory_space<vmem>>)
      %add3A_281 = arith.constant 2 : i32
      %add3A_282 = arith.addi %mul3A_242, %add3A_281 : i32
      %mul3A_283 = arith.constant 128 : i32
      %mul3A_284 = arith.muli %add3A_282, %mul3A_283 : i32
      %dma_start3A_285 = arith.constant 0 : i32
      %dma_start3A_286 = arith.constant 0 : i32
      %dma_start3A_287 = arith.constant 0 : i32
      %dma_start3A_288 = tpu.memref_slice %arg8[%dma_start3A_285, %dma_start3A_286, %dma_start3A_287] : memref<2x128x128xf32, #tpu.memory_space<vmem>> -> memref<1x128x128xf32, #tpu.memory_space<vmem>>
      %dma_start3A_289 = tpu.memref_squeeze %dma_start3A_288 : memref<1x128x128xf32, #tpu.memory_space<vmem>> -> memref<128x128xf32, #tpu.memory_space<vmem>>
      %dma_start3A_290 = tpu.memref_slice %arg6[%mul3A_284] : memref<5120xi32, #tpu.memory_space<vmem>> -> memref<128xi32, #tpu.memory_space<vmem>>
      %dma_start3A_291 = arith.constant 0 : i32
      %dma_start3A_292 = arith.constant 0 : i32
      %dma_start3A_293 = tpu.memref_slice %arg2[%dma_start3A_291, %dma_start3A_292] : memref<10240x128xf32, #tpu.memory_space<hbm>> -> memref<10240x128xf32, #tpu.memory_space<hbm>>
      tpu.enqueue_indirect_dma source(%dma_start3A_293 : memref<10240x128xf32, #tpu.memory_space<hbm>>) target(%dma_start3A_289 : memref<128x128xf32, #tpu.memory_space<vmem>>) offsets(%dma_start3A_290 : memref<128xi32, #tpu.memory_space<vmem>>) semaphore(%arg11 : memref<!tpu.dma_semaphore, #tpu.memory_space<semaphore_mem>>)
      %add3A_294 = arith.constant 1 : i32
      %add3A_295 = arith.addi %mul3A_242, %add3A_294 : i32
      %run_scoped3A_296 = arith.constant 1 : i32
      "tpu.region"() ({
        %run_scoped3A_297 = tpu.sem_alloc : memref<!tpu.dma_semaphore, #tpu.memory_space<semaphore_mem>>
        %dma_start3A_298 = arith.constant 0 : i32
        %dma_start3A_299 = arith.constant 0 : i32
        %dma_start3A_300 = tpu.memref_slice %arg8[%run_scoped3A_296, %dma_start3A_298, %dma_start3A_299] : memref<2x128x128xf32, #tpu.memory_space<vmem>> -> memref<1x128x128xf32, #tpu.memory_space<vmem>>
        %dma_start3A_301 = tpu.memref_squeeze %dma_start3A_300 : memref<1x128x128xf32, #tpu.memory_space<vmem>> -> memref<128x128xf32, #tpu.memory_space<vmem>>
        %dma_start3A_302 = arith.constant 0 : i32
        %dma_start3A_303 = tpu.memref_slice %arg7[%add3A_295, %dma_start3A_302] : memref<40x128xi32, #tpu.memory_space<vmem>> -> memref<1x128xi32, #tpu.memory_space<vmem>>
        %dma_start3A_304 = tpu.memref_squeeze %dma_start3A_303 : memref<1x128xi32, #tpu.memory_space<vmem>> -> memref<128xi32, #tpu.memory_space<vmem>>
        %dma_start3A_305 = arith.constant 0 : i32
        %dma_start3A_306 = arith.constant 0 : i32
        %dma_start3A_307 = tpu.memref_slice %arg9[%dma_start3A_305, %dma_start3A_306] : memref<10240x128xf32, #tpu.memory_space<vmem_shared>> -> memref<10240x128xf32, #tpu.memory_space<vmem_shared>>
        tpu.enqueue_indirect_dma source(%dma_start3A_301 : memref<128x128xf32, #tpu.memory_space<vmem>>) target(%dma_start3A_307 : memref<10240x128xf32, #tpu.memory_space<vmem_shared>>) offsets(%dma_start3A_304 : memref<128xi32, #tpu.memory_space<vmem>>) semaphore(%run_scoped3A_297 : memref<!tpu.dma_semaphore, #tpu.memory_space<semaphore_mem>>) {add = true}
        %dma_wait3A_308 = arith.constant 0 : i32
        %dma_wait3A_309 = arith.constant 0 : i32
        %dma_wait3A_310 = tpu.memref_slice %arg8[%run_scoped3A_296, %dma_wait3A_308, %dma_wait3A_309] : memref<2x128x128xf32, #tpu.memory_space<vmem>> -> memref<1x128x128xf32, #tpu.memory_space<vmem>>
        %dma_wait3A_311 = tpu.memref_squeeze %dma_wait3A_310 : memref<1x128x128xf32, #tpu.memory_space<vmem>> -> memref<128x128xf32, #tpu.memory_space<vmem>>
        %dma_wait3A_312 = arith.constant 0 : i32
        %dma_wait3A_313 = tpu.memref_slice %arg7[%add3A_295, %dma_wait3A_312] : memref<40x128xi32, #tpu.memory_space<vmem>> -> memref<1x128xi32, #tpu.memory_space<vmem>>
        %dma_wait3A_314 = tpu.memref_squeeze %dma_wait3A_313 : memref<1x128xi32, #tpu.memory_space<vmem>> -> memref<128xi32, #tpu.memory_space<vmem>>
        %dma_wait3A_315 = arith.constant 0 : i32
        %dma_wait3A_316 = arith.constant 0 : i32
        %dma_wait3A_317 = tpu.memref_slice %arg9[%dma_wait3A_315, %dma_wait3A_316] : memref<10240x128xf32, #tpu.memory_space<vmem_shared>> -> memref<10240x128xf32, #tpu.memory_space<vmem_shared>>
        tpu.wait_indirect_dma semaphore(%run_scoped3A_297 : memref<!tpu.dma_semaphore, #tpu.memory_space<semaphore_mem>>) src(%dma_wait3A_311 : memref<128x128xf32, #tpu.memory_space<vmem>>) dst(%dma_wait3A_317 : memref<10240x128xf32, #tpu.memory_space<vmem_shared>>)
        tpu.yield
      }) : () -> ()
    }
    %while3A_190 = arith.constant 1 : i32
    scf.for %while3A_238 = %while3A_188 to %while3A_184 step %while3A_190  : i32 {
      %mul3A_239 = arith.muli %while3A_238, %while3A_180 : i32
      %add3A_240 = arith.addi %while3A_181, %mul3A_239 : i32
      %mul3A_241 = arith.constant 2 : i32
      %mul3A_242 = arith.muli %add3A_240, %mul3A_241 : i32
      %mul3A_243 = arith.constant 128 : i32
      %mul3A_244 = arith.muli %mul3A_242, %mul3A_243 : i32
      %dma_wait3A_245 = arith.constant 0 : i32
      %dma_wait3A_246 = arith.constant 0 : i32
      %dma_wait3A_247 = arith.constant 0 : i32
      %dma_wait3A_248 = tpu.memref_slice %arg8[%dma_wait3A_245, %dma_wait3A_246, %dma_wait3A_247] : memref<2x128x128xf32, #tpu.memory_space<vmem>> -> memref<1x128x128xf32, #tpu.memory_space<vmem>>
      %dma_wait3A_249 = tpu.memref_squeeze %dma_wait3A_248 : memref<1x128x128xf32, #tpu.memory_space<vmem>> -> memref<128x128xf32, #tpu.memory_space<vmem>>
      %dma_wait3A_250 = tpu.memref_slice %arg6[%mul3A_244] : memref<5120xi32, #tpu.memory_space<vmem>> -> memref<128xi32, #tpu.memory_space<vmem>>
      %dma_wait3A_251 = arith.constant 0 : i32
      %dma_wait3A_252 = arith.constant 0 : i32
      %dma_wait3A_253 = tpu.memref_slice %arg2[%dma_wait3A_251, %dma_wait3A_252] : memref<10240x128xf32, #tpu.memory_space<hbm>> -> memref<10240x128xf32, #tpu.memory_space<hbm>>
      tpu.wait_indirect_dma semaphore(%arg11 : memref<!tpu.dma_semaphore, #tpu.memory_space<semaphore_mem>>) src(%dma_wait3A_253 : memref<10240x128xf32, #tpu.memory_space<hbm>>) dst(%dma_wait3A_249 : memref<128x128xf32, #tpu.memory_space<vmem>>)
      %add3A_254 = arith.constant 1 : i32
      %add3A_255 = arith.addi %mul3A_242, %add3A_254 : i32
      %mul3A_256 = arith.constant 128 : i32
      %mul3A_257 = arith.muli %add3A_255, %mul3A_256 : i32
      %dma_start3A_258 = arith.constant 1 : i32
      %dma_start3A_259 = arith.constant 0 : i32
      %dma_start3A_260 = arith.constant 0 : i32
      %dma_start3A_261 = tpu.memref_slice %arg8[%dma_start3A_258, %dma_start3A_259, %dma_start3A_260] : memref<2x128x128xf32, #tpu.memory_space<vmem>> -> memref<1x128x128xf32, #tpu.memory_space<vmem>>
      %dma_start3A_262 = tpu.memref_squeeze %dma_start3A_261 : memref<1x128x128xf32, #tpu.memory_space<vmem>> -> memref<128x128xf32, #tpu.memory_space<vmem>>
      %dma_start3A_263 = tpu.memref_slice %arg6[%mul3A_257] : memref<5120xi32, #tpu.memory_space<vmem>> -> memref<128xi32, #tpu.memory_space<vmem>>
      %dma_start3A_264 = arith.constant 0 : i32
      %dma_start3A_265 = arith.constant 0 : i32
      %dma_start3A_266 = tpu.memref_slice %arg2[%dma_start3A_264, %dma_start3A_265] : memref<10240x128xf32, #tpu.memory_space<hbm>> -> memref<10240x128xf32, #tpu.memory_space<hbm>>
      tpu.enqueue_indirect_dma source(%dma_start3A_266 : memref<10240x128xf32, #tpu.memory_space<hbm>>) target(%dma_start3A_262 : memref<128x128xf32, #tpu.memory_space<vmem>>) offsets(%dma_start3A_263 : memref<128xi32, #tpu.memory_space<vmem>>) semaphore(%arg12 : memref<!tpu.dma_semaphore, #tpu.memory_space<semaphore_mem>>)
      %run_scoped3A_267 = arith.constant 0 : i32
      "tpu.region"() ({
        %run_scoped3A_297 = tpu.sem_alloc : memref<!tpu.dma_semaphore, #tpu.memory_space<semaphore_mem>>
        %dma_start3A_298 = arith.constant 0 : i32
        %dma_start3A_299 = arith.constant 0 : i32
        %dma_start3A_300 = tpu.memref_slice %arg8[%run_scoped3A_267, %dma_start3A_298, %dma_start3A_299] : memref<2x128x128xf32, #tpu.memory_space<vmem>> -> memref<1x128x128xf32, #tpu.memory_space<vmem>>
        %dma_start3A_301 = tpu.memref_squeeze %dma_start3A_300 : memref<1x128x128xf32, #tpu.memory_space<vmem>> -> memref<128x128xf32, #tpu.memory_space<vmem>>
        %dma_start3A_302 = arith.constant 0 : i32
        %dma_start3A_303 = tpu.memref_slice %arg7[%mul3A_242, %dma_start3A_302] : memref<40x128xi32, #tpu.memory_space<vmem>> -> memref<1x128xi32, #tpu.memory_space<vmem>>
        %dma_start3A_304 = tpu.memref_squeeze %dma_start3A_303 : memref<1x128xi32, #tpu.memory_space<vmem>> -> memref<128xi32, #tpu.memory_space<vmem>>
        %dma_start3A_305 = arith.constant 0 : i32
        %dma_start3A_306 = arith.constant 0 : i32
        %dma_start3A_307 = tpu.memref_slice %arg9[%dma_start3A_305, %dma_start3A_306] : memref<10240x128xf32, #tpu.memory_space<vmem_shared>> -> memref<10240x128xf32, #tpu.memory_space<vmem_shared>>
        tpu.enqueue_indirect_dma source(%dma_start3A_301 : memref<128x128xf32, #tpu.memory_space<vmem>>) target(%dma_start3A_307 : memref<10240x128xf32, #tpu.memory_space<vmem_shared>>) offsets(%dma_start3A_304 : memref<128xi32, #tpu.memory_space<vmem>>) semaphore(%run_scoped3A_297 : memref<!tpu.dma_semaphore, #tpu.memory_space<semaphore_mem>>) {add = true}
        %dma_wait3A_308 = arith.constant 0 : i32
        %dma_wait3A_309 = arith.constant 0 : i32
        %dma_wait3A_310 = tpu.memref_slice %arg8[%run_scoped3A_267, %dma_wait3A_308, %dma_wait3A_309] : memref<2x128x128xf32, #tpu.memory_space<vmem>> -> memref<1x128x128xf32, #tpu.memory_space<vmem>>
        %dma_wait3A_311 = tpu.memref_squeeze %dma_wait3A_310 : memref<1x128x128xf32, #tpu.memory_space<vmem>> -> memref<128x128xf32, #tpu.memory_space<vmem>>
        %dma_wait3A_312 = arith.constant 0 : i32
        %dma_wait3A_313 = tpu.memref_slice %arg7[%mul3A_242, %dma_wait3A_312] : memref<40x128xi32, #tpu.memory_space<vmem>> -> memref<1x128xi32, #tpu.memory_space<vmem>>
        %dma_wait3A_314 = tpu.memref_squeeze %dma_wait3A_313 : memref<1x128xi32, #tpu.memory_space<vmem>> -> memref<128xi32, #tpu.memory_space<vmem>>
        %dma_wait3A_315 = arith.constant 0 : i32
        %dma_wait3A_316 = arith.constant 0 : i32
        %dma_wait3A_317 = tpu.memref_slice %arg9[%dma_wait3A_315, %dma_wait3A_316] : memref<10240x128xf32, #tpu.memory_space<vmem_shared>> -> memref<10240x128xf32, #tpu.memory_space<vmem_shared>>
        tpu.wait_indirect_dma semaphore(%run_scoped3A_297 : memref<!tpu.dma_semaphore, #tpu.memory_space<semaphore_mem>>) src(%dma_wait3A_311 : memref<128x128xf32, #tpu.memory_space<vmem>>) dst(%dma_wait3A_317 : memref<10240x128xf32, #tpu.memory_space<vmem_shared>>)
        tpu.yield
      }) : () -> ()
      %add3A_268 = arith.constant 1 : i32
      %add3A_269 = arith.addi %mul3A_242, %add3A_268 : i32
      %mul3A_270 = arith.constant 128 : i32
      %mul3A_271 = arith.muli %add3A_269, %mul3A_270 : i32
      %dma_wait3A_272 = arith.constant 1 : i32
      %dma_wait3A_273 = arith.constant 0 : i32
      %dma_wait3A_274 = arith.constant 0 : i32
      %dma_wait3A_275 = tpu.memref_slice %arg8[%dma_wait3A_272, %dma_wait3A_273, %dma_wait3A_274] : memref<2x128x128xf32, #tpu.memory_space<vmem>> -> memref<1x128x128xf32, #tpu.memory_space<vmem>>
      %dma_wait3A_276 = tpu.memref_squeeze %dma_wait3A_275 : memref<1x128x128xf32, #tpu.memory_space<vmem>> -> memref<128x128xf32, #tpu.memory_space<vmem>>
      %dma_wait3A_277 = tpu.memref_slice %arg6[%mul3A_271] : memref<5120xi32, #tpu.memory_space<vmem>> -> memref<128xi32, #tpu.memory_space<vmem>>
      %dma_wait3A_278 = arith.constant 0 : i32
      %dma_wait3A_279 = arith.constant 0 : i32
      %dma_wait3A_280 = tpu.memref_slice %arg2[%dma_wait3A_278, %dma_wait3A_279] : memref<10240x128xf32, #tpu.memory_space<hbm>> -> memref<10240x128xf32, #tpu.memory_space<hbm>>
      tpu.wait_indirect_dma semaphore(%arg12 : memref<!tpu.dma_semaphore, #tpu.memory_space<semaphore_mem>>) src(%dma_wait3A_280 : memref<10240x128xf32, #tpu.memory_space<hbm>>) dst(%dma_wait3A_276 : memref<128x128xf32, #tpu.memory_space<vmem>>)
      %add3A_281 = arith.constant 2 : i32
      %add3A_282 = arith.addi %mul3A_242, %add3A_281 : i32
      %mul3A_283 = arith.constant 128 : i32
      %mul3A_284 = arith.muli %add3A_282, %mul3A_283 : i32
      %dma_start3A_285 = arith.constant 0 : i32
      %dma_start3A_286 = arith.constant 0 : i32
      %dma_start3A_287 = arith.constant 0 : i32
      %dma_start3A_288 = tpu.memref_slice %arg8[%dma_start3A_285, %dma_start3A_286, %dma_start3A_287] : memref<2x128x128xf32, #tpu.memory_space<vmem>> -> memref<1x128x128xf32, #tpu.memory_space<vmem>>
      %dma_start3A_289 = tpu.memref_squeeze %dma_start3A_288 : memref<1x128x128xf32, #tpu.memory_space<vmem>> -> memref<128x128xf32, #tpu.memory_space<vmem>>
      %dma_start3A_290 = tpu.memref_slice %arg6[%mul3A_284] : memref<5120xi32, #tpu.memory_space<vmem>> -> memref<128xi32, #tpu.memory_space<vmem>>
      %dma_start3A_291 = arith.constant 0 : i32
      %dma_start3A_292 = arith.constant 0 : i32
      %dma_start3A_293 = tpu.memref_slice %arg2[%dma_start3A_291, %dma_start3A_292] : memref<10240x128xf32, #tpu.memory_space<hbm>> -> memref<10240x128xf32, #tpu.memory_space<hbm>>
      tpu.enqueue_indirect_dma source(%dma_start3A_293 : memref<10240x128xf32, #tpu.memory_space<hbm>>) target(%dma_start3A_289 : memref<128x128xf32, #tpu.memory_space<vmem>>) offsets(%dma_start3A_290 : memref<128xi32, #tpu.memory_space<vmem>>) semaphore(%arg11 : memref<!tpu.dma_semaphore, #tpu.memory_space<semaphore_mem>>)
      %add3A_294 = arith.constant 1 : i32
      %add3A_295 = arith.addi %mul3A_242, %add3A_294 : i32
      %run_scoped3A_296 = arith.constant 1 : i32
      "tpu.region"() ({
        %run_scoped3A_297 = tpu.sem_alloc : memref<!tpu.dma_semaphore, #tpu.memory_space<semaphore_mem>>
        %dma_start3A_298 = arith.constant 0 : i32
        %dma_start3A_299 = arith.constant 0 : i32
        %dma_start3A_300 = tpu.memref_slice %arg8[%run_scoped3A_296, %dma_start3A_298, %dma_start3A_299] : memref<2x128x128xf32, #tpu.memory_space<vmem>> -> memref<1x128x128xf32, #tpu.memory_space<vmem>>
        %dma_start3A_301 = tpu.memref_squeeze %dma_start3A_300 : memref<1x128x128xf32, #tpu.memory_space<vmem>> -> memref<128x128xf32, #tpu.memory_space<vmem>>
        %dma_start3A_302 = arith.constant 0 : i32
        %dma_start3A_303 = tpu.memref_slice %arg7[%add3A_295, %dma_start3A_302] : memref<40x128xi32, #tpu.memory_space<vmem>> -> memref<1x128xi32, #tpu.memory_space<vmem>>
        %dma_start3A_304 = tpu.memref_squeeze %dma_start3A_303 : memref<1x128xi32, #tpu.memory_space<vmem>> -> memref<128xi32, #tpu.memory_space<vmem>>
        %dma_start3A_305 = arith.constant 0 : i32
        %dma_start3A_306 = arith.constant 0 : i32
        %dma_start3A_307 = tpu.memref_slice %arg9[%dma_start3A_305, %dma_start3A_306] : memref<10240x128xf32, #tpu.memory_space<vmem_shared>> -> memref<10240x128xf32, #tpu.memory_space<vmem_shared>>
        tpu.enqueue_indirect_dma source(%dma_start3A_301 : memref<128x128xf32, #tpu.memory_space<vmem>>) target(%dma_start3A_307 : memref<10240x128xf32, #tpu.memory_space<vmem_shared>>) offsets(%dma_start3A_304 : memref<128xi32, #tpu.memory_space<vmem>>) semaphore(%run_scoped3A_297 : memref<!tpu.dma_semaphore, #tpu.memory_space<semaphore_mem>>) {add = true}
        %dma_wait3A_308 = arith.constant 0 : i32
        %dma_wait3A_309 = arith.constant 0 : i32
        %dma_wait3A_310 = tpu.memref_slice %arg8[%run_scoped3A_296, %dma_wait3A_308, %dma_wait3A_309] : memref<2x128x128xf32, #tpu.memory_space<vmem>> -> memref<1x128x128xf32, #tpu.memory_space<vmem>>
        %dma_wait3A_311 = tpu.memref_squeeze %dma_wait3A_310 : memref<1x128x128xf32, #tpu.memory_space<vmem>> -> memref<128x128xf32, #tpu.memory_space<vmem>>
        %dma_wait3A_312 = arith.constant 0 : i32
        %dma_wait3A_313 = tpu.memref_slice %arg7[%add3A_295, %dma_wait3A_312] : memref<40x128xi32, #tpu.memory_space<vmem>> -> memref<1x128xi32, #tpu.memory_space<vmem>>
        %dma_wait3A_314 = tpu.memref_squeeze %dma_wait3A_313 : memref<1x128xi32, #tpu.memory_space<vmem>> -> memref<128xi32, #tpu.memory_space<vmem>>
        %dma_wait3A_315 = arith.constant 0 : i32
        %dma_wait3A_316 = arith.constant 0 : i32
        %dma_wait3A_317 = tpu.memref_slice %arg9[%dma_wait3A_315, %dma_wait3A_316] : memref<10240x128xf32, #tpu.memory_space<vmem_shared>> -> memref<10240x128xf32, #tpu.memory_space<vmem_shared>>
        tpu.wait_indirect_dma semaphore(%run_scoped3A_297 : memref<!tpu.dma_semaphore, #tpu.memory_space<semaphore_mem>>) src(%dma_wait3A_311 : memref<128x128xf32, #tpu.memory_space<vmem>>) dst(%dma_wait3A_317 : memref<10240x128xf32, #tpu.memory_space<vmem_shared>>)
        tpu.yield
      }) : () -> ()
    }
    %mul3A_191 = arith.constant 38 : i32
    %mul3A_192 = arith.constant 128 : i32
    %mul3A_193 = arith.muli %mul3A_191, %mul3A_192 : i32
    %dma_wait3A_194 = arith.constant 0 : i32
    %dma_wait3A_195 = arith.constant 0 : i32
    %dma_wait3A_196 = arith.constant 0 : i32
    %dma_wait3A_197 = tpu.memref_slice %arg8[%dma_wait3A_194, %dma_wait3A_195, %dma_wait3A_196] : memref<2x128x128xf32, #tpu.memory_space<vmem>> -> memref<1x128x128xf32, #tpu.memory_space<vmem>>
    %dma_wait3A_198 = tpu.memref_squeeze %dma_wait3A_197 : memref<1x128x128xf32, #tpu.memory_space<vmem>> -> memref<128x128xf32, #tpu.memory_space<vmem>>
    %dma_wait3A_199 = tpu.memref_slice %arg6[%mul3A_193] : memref<5120xi32, #tpu.memory_space<vmem>> -> memref<128xi32, #tpu.memory_space<vmem>>
    %dma_wait3A_200 = arith.constant 0 : i32
    %dma_wait3A_201 = arith.constant 0 : i32
    %dma_wait3A_202 = tpu.memref_slice %arg2[%dma_wait3A_200, %dma_wait3A_201] : memref<10240x128xf32, #tpu.memory_space<hbm>> -> memref<10240x128xf32, #tpu.memory_space<hbm>>
    tpu.wait_indirect_dma semaphore(%arg11 : memref<!tpu.dma_semaphore, #tpu.memory_space<semaphore_mem>>) src(%dma_wait3A_202 : memref<10240x128xf32, #tpu.memory_space<hbm>>) dst(%dma_wait3A_198 : memref<128x128xf32, #tpu.memory_space<vmem>>)
    %add3A_203 = arith.constant 38 : i32
    %add3A_204 = arith.constant 1 : i32
    %add3A_205 = arith.addi %add3A_203, %add3A_204 : i32
    %mul3A_206 = arith.constant 128 : i32
    %mul3A_207 = arith.muli %add3A_205, %mul3A_206 : i32
    %dma_start3A_208 = arith.constant 1 : i32
    %dma_start3A_209 = arith.constant 0 : i32
    %dma_start3A_210 = arith.constant 0 : i32
    %dma_start3A_211 = tpu.memref_slice %arg8[%dma_start3A_208, %dma_start3A_209, %dma_start3A_210] : memref<2x128x128xf32, #tpu.memory_space<vmem>> -> memref<1x128x128xf32, #tpu.memory_space<vmem>>
    %dma_start3A_212 = tpu.memref_squeeze %dma_start3A_211 : memref<1x128x128xf32, #tpu.memory_space<vmem>> -> memref<128x128xf32, #tpu.memory_space<vmem>>
    %dma_start3A_213 = tpu.memref_slice %arg6[%mul3A_207] : memref<5120xi32, #tpu.memory_space<vmem>> -> memref<128xi32, #tpu.memory_space<vmem>>
    %dma_start3A_214 = arith.constant 0 : i32
    %dma_start3A_215 = arith.constant 0 : i32
    %dma_start3A_216 = tpu.memref_slice %arg2[%dma_start3A_214, %dma_start3A_215] : memref<10240x128xf32, #tpu.memory_space<hbm>> -> memref<10240x128xf32, #tpu.memory_space<hbm>>
    tpu.enqueue_indirect_dma source(%dma_start3A_216 : memref<10240x128xf32, #tpu.memory_space<hbm>>) target(%dma_start3A_212 : memref<128x128xf32, #tpu.memory_space<vmem>>) offsets(%dma_start3A_213 : memref<128xi32, #tpu.memory_space<vmem>>) semaphore(%arg12 : memref<!tpu.dma_semaphore, #tpu.memory_space<semaphore_mem>>)
    %run_scoped3A_217 = arith.constant 0 : i32
    %run_scoped3A_218 = arith.constant 38 : i32
    "tpu.region"() ({
      %run_scoped3A_238 = tpu.sem_alloc : memref<!tpu.dma_semaphore, #tpu.memory_space<semaphore_mem>>
      %dma_start3A_239 = arith.constant 0 : i32
      %dma_start3A_240 = arith.constant 0 : i32
      %dma_start3A_241 = tpu.memref_slice %arg8[%run_scoped3A_217, %dma_start3A_239, %dma_start3A_240] : memref<2x128x128xf32, #tpu.memory_space<vmem>> -> memref<1x128x128xf32, #tpu.memory_space<vmem>>
      %dma_start3A_242 = tpu.memref_squeeze %dma_start3A_241 : memref<1x128x128xf32, #tpu.memory_space<vmem>> -> memref<128x128xf32, #tpu.memory_space<vmem>>
      %dma_start3A_243 = arith.constant 0 : i32
      %dma_start3A_244 = tpu.memref_slice %arg7[%run_scoped3A_218, %dma_start3A_243] : memref<40x128xi32, #tpu.memory_space<vmem>> -> memref<1x128xi32, #tpu.memory_space<vmem>>
      %dma_start3A_245 = tpu.memref_squeeze %dma_start3A_244 : memref<1x128xi32, #tpu.memory_space<vmem>> -> memref<128xi32, #tpu.memory_space<vmem>>
      %dma_start3A_246 = arith.constant 0 : i32
      %dma_start3A_247 = arith.constant 0 : i32
      %dma_start3A_248 = tpu.memref_slice %arg9[%dma_start3A_246, %dma_start3A_247] : memref<10240x128xf32, #tpu.memory_space<vmem_shared>> -> memref<10240x128xf32, #tpu.memory_space<vmem_shared>>
      tpu.enqueue_indirect_dma source(%dma_start3A_242 : memref<128x128xf32, #tpu.memory_space<vmem>>) target(%dma_start3A_248 : memref<10240x128xf32, #tpu.memory_space<vmem_shared>>) offsets(%dma_start3A_245 : memref<128xi32, #tpu.memory_space<vmem>>) semaphore(%run_scoped3A_238 : memref<!tpu.dma_semaphore, #tpu.memory_space<semaphore_mem>>) {add = true}
      %dma_wait3A_249 = arith.constant 0 : i32
      %dma_wait3A_250 = arith.constant 0 : i32
      %dma_wait3A_251 = tpu.memref_slice %arg8[%run_scoped3A_217, %dma_wait3A_249, %dma_wait3A_250] : memref<2x128x128xf32, #tpu.memory_space<vmem>> -> memref<1x128x128xf32, #tpu.memory_space<vmem>>
      %dma_wait3A_252 = tpu.memref_squeeze %dma_wait3A_251 : memref<1x128x128xf32, #tpu.memory_space<vmem>> -> memref<128x128xf32, #tpu.memory_space<vmem>>
      %dma_wait3A_253 = arith.constant 0 : i32
      %dma_wait3A_254 = tpu.memref_slice %arg7[%run_scoped3A_218, %dma_wait3A_253] : memref<40x128xi32, #tpu.memory_space<vmem>> -> memref<1x128xi32, #tpu.memory_space<vmem>>
      %dma_wait3A_255 = tpu.memref_squeeze %dma_wait3A_254 : memref<1x128xi32, #tpu.memory_space<vmem>> -> memref<128xi32, #tpu.memory_space<vmem>>
      %dma_wait3A_256 = arith.constant 0 : i32
      %dma_wait3A_257 = arith.constant 0 : i32
      %dma_wait3A_258 = tpu.memref_slice %arg9[%dma_wait3A_256, %dma_wait3A_257] : memref<10240x128xf32, #tpu.memory_space<vmem_shared>> -> memref<10240x128xf32, #tpu.memory_space<vmem_shared>>
      tpu.wait_indirect_dma semaphore(%run_scoped3A_238 : memref<!tpu.dma_semaphore, #tpu.memory_space<semaphore_mem>>) src(%dma_wait3A_252 : memref<128x128xf32, #tpu.memory_space<vmem>>) dst(%dma_wait3A_258 : memref<10240x128xf32, #tpu.memory_space<vmem_shared>>)
      tpu.yield
    }) : () -> ()
    %add3A_219 = arith.constant 38 : i32
    %add3A_220 = arith.constant 1 : i32
    %add3A_221 = arith.addi %add3A_219, %add3A_220 : i32
    %mul3A_222 = arith.constant 128 : i32
    %mul3A_223 = arith.muli %add3A_221, %mul3A_222 : i32
    %dma_wait3A_224 = arith.constant 1 : i32
    %dma_wait3A_225 = arith.constant 0 : i32
    %dma_wait3A_226 = arith.constant 0 : i32
    %dma_wait3A_227 = tpu.memref_slice %arg8[%dma_wait3A_224, %dma_wait3A_225, %dma_wait3A_226] : memref<2x128x128xf32, #tpu.memory_space<vmem>> -> memref<1x128x128xf32, #tpu.memory_space<vmem>>
    %dma_wait3A_228 = tpu.memref_squeeze %dma_wait3A_227 : memref<1x128x128xf32, #tpu.memory_space<vmem>> -> memref<128x128xf32, #tpu.memory_space<vmem>>
    %dma_wait3A_229 = tpu.memref_slice %arg6[%mul3A_223] : memref<5120xi32, #tpu.memory_space<vmem>> -> memref<128xi32, #tpu.memory_space<vmem>>
    %dma_wait3A_230 = arith.constant 0 : i32
    %dma_wait3A_231 = arith.constant 0 : i32
    %dma_wait3A_232 = tpu.memref_slice %arg2[%dma_wait3A_230, %dma_wait3A_231] : memref<10240x128xf32, #tpu.memory_space<hbm>> -> memref<10240x128xf32, #tpu.memory_space<hbm>>
    tpu.wait_indirect_dma semaphore(%arg12 : memref<!tpu.dma_semaphore, #tpu.memory_space<semaphore_mem>>) src(%dma_wait3A_232 : memref<10240x128xf32, #tpu.memory_space<hbm>>) dst(%dma_wait3A_228 : memref<128x128xf32, #tpu.memory_space<vmem>>)
    %add3A_233 = arith.constant 38 : i32
    %add3A_234 = arith.constant 1 : i32
    %add3A_235 = arith.addi %add3A_233, %add3A_234 : i32
    %run_scoped3A_236 = arith.constant 1 : i32
    "tpu.region"() ({
      %run_scoped3A_238 = tpu.sem_alloc : memref<!tpu.dma_semaphore, #tpu.memory_space<semaphore_mem>>
      %dma_start3A_239 = arith.constant 0 : i32
      %dma_start3A_240 = arith.constant 0 : i32
      %dma_start3A_241 = tpu.memref_slice %arg8[%run_scoped3A_236, %dma_start3A_239, %dma_start3A_240] : memref<2x128x128xf32, #tpu.memory_space<vmem>> -> memref<1x128x128xf32, #tpu.memory_space<vmem>>
      %dma_start3A_242 = tpu.memref_squeeze %dma_start3A_241 : memref<1x128x128xf32, #tpu.memory_space<vmem>> -> memref<128x128xf32, #tpu.memory_space<vmem>>
      %dma_start3A_243 = arith.constant 0 : i32
      %dma_start3A_244 = tpu.memref_slice %arg7[%add3A_235, %dma_start3A_243] : memref<40x128xi32, #tpu.memory_space<vmem>> -> memref<1x128xi32, #tpu.memory_space<vmem>>
      %dma_start3A_245 = tpu.memref_squeeze %dma_start3A_244 : memref<1x128xi32, #tpu.memory_space<vmem>> -> memref<128xi32, #tpu.memory_space<vmem>>
      %dma_start3A_246 = arith.constant 0 : i32
      %dma_start3A_247 = arith.constant 0 : i32
      %dma_start3A_248 = tpu.memref_slice %arg9[%dma_start3A_246, %dma_start3A_247] : memref<10240x128xf32, #tpu.memory_space<vmem_shared>> -> memref<10240x128xf32, #tpu.memory_space<vmem_shared>>
      tpu.enqueue_indirect_dma source(%dma_start3A_242 : memref<128x128xf32, #tpu.memory_space<vmem>>) target(%dma_start3A_248 : memref<10240x128xf32, #tpu.memory_space<vmem_shared>>) offsets(%dma_start3A_245 : memref<128xi32, #tpu.memory_space<vmem>>) semaphore(%run_scoped3A_238 : memref<!tpu.dma_semaphore, #tpu.memory_space<semaphore_mem>>) {add = true}
      %dma_wait3A_249 = arith.constant 0 : i32
      %dma_wait3A_250 = arith.constant 0 : i32
      %dma_wait3A_251 = tpu.memref_slice %arg8[%run_scoped3A_236, %dma_wait3A_249, %dma_wait3A_250] : memref<2x128x128xf32, #tpu.memory_space<vmem>> -> memref<1x128x128xf32, #tpu.memory_space<vmem>>
      %dma_wait3A_252 = tpu.memref_squeeze %dma_wait3A_251 : memref<1x128x128xf32, #tpu.memory_space<vmem>> -> memref<128x128xf32, #tpu.memory_space<vmem>>
      %dma_wait3A_253 = arith.constant 0 : i32
      %dma_wait3A_254 = tpu.memref_slice %arg7[%add3A_235, %dma_wait3A_253] : memref<40x128xi32, #tpu.memory_space<vmem>> -> memref<1x128xi32, #tpu.memory_space<vmem>>
      %dma_wait3A_255 = tpu.memref_squeeze %dma_wait3A_254 : memref<1x128xi32, #tpu.memory_space<vmem>> -> memref<128xi32, #tpu.memory_space<vmem>>
      %dma_wait3A_256 = arith.constant 0 : i32
      %dma_wait3A_257 = arith.constant 0 : i32
      %dma_wait3A_258 = tpu.memref_slice %arg9[%dma_wait3A_256, %dma_wait3A_257] : memref<10240x128xf32, #tpu.memory_space<vmem_shared>> -> memref<10240x128xf32, #tpu.memory_space<vmem_shared>>
      tpu.wait_indirect_dma semaphore(%run_scoped3A_238 : memref<!tpu.dma_semaphore, #tpu.memory_space<semaphore_mem>>) src(%dma_wait3A_252 : memref<128x128xf32, #tpu.memory_space<vmem>>) dst(%dma_wait3A_258 : memref<10240x128xf32, #tpu.memory_space<vmem_shared>>)
      tpu.yield
    }) : () -> ()
    %barrier3A_237 = arith.constant 0 : index
    tpu.barrier barrier_id(%barrier3A_237)
    "tpu.region"() ({
      %run_scoped3A_238 = tpu.sem_alloc : memref<!tpu.dma_semaphore, #tpu.memory_space<semaphore_mem>>
      %dma_start3A_239 = arith.constant 0 : i32
      %dma_start3A_240 = tpu.memref_slice %arg5[%arg0, %mul3A_2, %dma_start3A_239] : memref<2x10240x128xf32, #tpu.memory_space<hbm>> -> memref<1x640x128xf32, #tpu.memory_space<hbm>>
      %dma_start3A_241 = tpu.memref_squeeze %dma_start3A_240 : memref<1x640x128xf32, #tpu.memory_space<hbm>> -> memref<640x128xf32, #tpu.memory_space<hbm>>
      %dma_start3A_242 = arith.constant 0 : i32
      %dma_start3A_243 = tpu.memref_slice %arg9[%mul3A_2, %dma_start3A_242] : memref<10240x128xf32, #tpu.memory_space<vmem_shared>> -> memref<640x128xf32, #tpu.memory_space<vmem_shared>>
      tpu.enqueue_dma source(%dma_start3A_243 : memref<640x128xf32, #tpu.memory_space<vmem_shared>>) target(%dma_start3A_241 : memref<640x128xf32, #tpu.memory_space<hbm>>) target_semaphore(%run_scoped3A_238 : memref<!tpu.dma_semaphore, #tpu.memory_space<semaphore_mem>>)
      %dma_wait3A_244 = arith.constant 0 : i32
      %dma_wait3A_245 = tpu.memref_slice %arg5[%arg0, %mul3A_2, %dma_wait3A_244] : memref<2x10240x128xf32, #tpu.memory_space<hbm>> -> memref<1x640x128xf32, #tpu.memory_space<hbm>>
      %dma_wait3A_246 = tpu.memref_squeeze %dma_wait3A_245 : memref<1x640x128xf32, #tpu.memory_space<hbm>> -> memref<640x128xf32, #tpu.memory_space<hbm>>
      %dma_wait3A_247 = arith.constant 0 : i32
      %dma_wait3A_248 = tpu.memref_slice %arg9[%mul3A_2, %dma_wait3A_247] : memref<10240x128xf32, #tpu.memory_space<vmem_shared>> -> memref<640x128xf32, #tpu.memory_space<vmem_shared>>
      tpu.wait_dma2 semaphore(%run_scoped3A_238 : memref<!tpu.dma_semaphore, #tpu.memory_space<semaphore_mem>>) src(%dma_wait3A_248 : memref<640x128xf32, #tpu.memory_space<vmem_shared>>) dst(%dma_wait3A_246 : memref<640x128xf32, #tpu.memory_space<hbm>>)
      tpu.yield
    }) : () -> ()
    return
  }
}

module attributes {stable_mosaic.version = 14 : i64} {
  func.func @body(%arg0: i32, %arg1: memref<2x1024x128xf32, #tpu.memory_space<vmem>>, %arg2: memref<32x1024xf32, #tpu.memory_space<vmem>>, %arg3: memref<1024x128xf32, #tpu.memory_space<vmem>>, %arg4: memref<1024x128xf32, #tpu.memory_space<vmem>>) attributes {dimension_semantics = [#tpu.dimension_semantics<arbitrary>], iteration_bounds = array<i64: 10>, scalar_prefetch = 0 : i64, scratch_operands = 0 : i64, tpu.core_type = #tpu.core_type<tc>, window_params = [{transform_indices = @transform_0, window_bounds = array<i64: 2, 1024, 128>}, {transform_indices = @transform_1, window_bounds = array<i64: 32, 1024>}, {transform_indices = @transform_2, window_bounds = array<i64: 1024, 128>}, {transform_indices = @transform_3, window_bounds = array<i64: 1024, 128>}]} {
    %get3A = arith.constant 0 : index
    %get3A_0 = arith.constant 0 : index
    %get3A_1 = vector.load %arg2[%get3A, %get3A_0] : memref<32x1024xf32, #tpu.memory_space<vmem>>, vector<32x1024xf32>
    %reduce_sum3A = arith.constant dense<0.000000e+00> : vector<1024xf32>
    %reduce_sum3A_2 = vector.multi_reduction <add>, %get3A_1, %reduce_sum3A [0] : vector<32x1024xf32> to vector<1024xf32>
    %broadcast_in_dim3A = vector.shape_cast %reduce_sum3A_2 : vector<1024xf32> to vector<1024x1xf32>
    %add3A = arith.constant 1.000000e+00 : f32
    %add3A_3 = vector.broadcast %add3A : f32 to vector<1024x1xf32>
    %add3A_4 = arith.addf %broadcast_in_dim3A, %add3A_3 : vector<1024x1xf32>
    %get3A_5 = arith.constant 0 : index
    %get3A_6 = arith.constant 0 : index
    %get3A_7 = arith.constant 0 : index
    %get3A_8 = vector.load %arg1[%get3A_5, %get3A_6, %get3A_7] : memref<2x1024x128xf32, #tpu.memory_space<vmem>>, vector<1x1024x128xf32>
    %get3A_9 = vector.shape_cast %get3A_8 : vector<1x1024x128xf32> to vector<1024x128xf32>
    %get3A_10 = arith.constant 1 : index
    %get3A_11 = arith.constant 0 : index
    %get3A_12 = arith.constant 0 : index
    %get3A_13 = vector.load %arg1[%get3A_10, %get3A_11, %get3A_12] : memref<2x1024x128xf32, #tpu.memory_space<vmem>>, vector<1x1024x128xf32>
    %get3A_14 = vector.shape_cast %get3A_13 : vector<1x1024x128xf32> to vector<1024x128xf32>
    %add3A_15 = arith.addf %get3A_9, %get3A_14 : vector<1024x128xf32>
    %rsqrt3A = math.rsqrt %add3A_4 : vector<1024x1xf32>
    %mul3A = vector.broadcast %rsqrt3A : vector<1024x1xf32> to vector<1024x128xf32>
    %mul3A_16 = arith.mulf %add3A_15, %mul3A : vector<1024x128xf32>
    %get3A_17 = arith.constant 0 : index
    %get3A_18 = arith.constant 0 : index
    %get3A_19 = vector.load %arg3[%get3A_17, %get3A_18] : memref<1024x128xf32, #tpu.memory_space<vmem>>, vector<1024x128xf32>
    %add3A_20 = arith.addf %mul3A_16, %get3A_19 : vector<1024x128xf32>
    %swap3A = arith.constant 0 : index
    %swap3A_21 = arith.constant 0 : index
    %swap3A_22 = vector.load %arg4[%swap3A, %swap3A_21] : memref<1024x128xf32, #tpu.memory_space<vmem>>, vector<1024x128xf32>
    tpu.vector_store %arg4[%swap3A, %swap3A_21], %add3A_20 {strides = array<i32>} : memref<1024x128xf32, #tpu.memory_space<vmem>>, vector<1024x128xf32>,
    return
  }
  func.func @transform_0(%arg0: i32) -> (i32, i32, i32) {
    %c0_i32 = arith.constant 0 : i32
    %c0_i32_0 = arith.constant 0 : i32
    %c0_i32_1 = arith.constant 0 : i32
    return %c0_i32, %arg0, %c0_i32_0 : i32, i32, i32
  }
  func.func @transform_1(%arg0: i32) -> (i32, i32) {
    %c0_i32 = arith.constant 0 : i32
    %c0_i32_0 = arith.constant 0 : i32
    return %c0_i32, %arg0 : i32, i32
  }
  func.func @transform_2(%arg0: i32) -> (i32, i32) {
    %c0_i32 = arith.constant 0 : i32
    %c0_i32_0 = arith.constant 0 : i32
    return %arg0, %c0_i32 : i32, i32
  }
  func.func @transform_3(%arg0: i32) -> (i32, i32) {
    %c0_i32 = arith.constant 0 : i32
    %c0_i32_0 = arith.constant 0 : i32
    return %arg0, %c0_i32 : i32, i32
  }
}

module attributes {stable_mosaic.version = 14 : i64} {
  func.func @body(%arg0: i32, %arg1: memref<1024x128xf32, #tpu.memory_space<vmem>>, %arg2: memref<128x128xf32, #tpu.memory_space<vmem>>, %arg3: memref<32x1024xf32, #tpu.memory_space<vmem>>, %arg4: memref<1024x128xf32, #tpu.memory_space<vmem>>, %arg5: memref<1024x128xf32, #tpu.memory_space<vmem>>) attributes {dimension_semantics = [#tpu.dimension_semantics<arbitrary>], iteration_bounds = array<i64: 10>, scalar_prefetch = 0 : i64, scratch_operands = 0 : i64, tpu.core_type = #tpu.core_type<tc>, window_params = [{transform_indices = @transform_0, window_bounds = array<i64: 1024, 128>}, {pipeline_mode = #tpu.pipeline_mode<synchronous>, transform_indices = @transform_1, window_bounds = array<i64: 128, 128>}, {transform_indices = @transform_2, window_bounds = array<i64: 32, 1024>}, {transform_indices = @transform_3, window_bounds = array<i64: 1024, 128>}, {transform_indices = @transform_4, window_bounds = array<i64: 1024, 128>}]} {
    %get3A = arith.constant 0 : index
    %get3A_0 = arith.constant 0 : index
    %get3A_1 = vector.load %arg1[%get3A, %get3A_0] : memref<1024x128xf32, #tpu.memory_space<vmem>>, vector<1024x128xf32>
    %get3A_2 = arith.constant 0 : index
    %get3A_3 = arith.constant 0 : index
    %get3A_4 = vector.load %arg2[%get3A_2, %get3A_3] : memref<128x128xf32, #tpu.memory_space<vmem>>, vector<128x128xf32>
    %dot_general3A = arith.constant dense<0.000000e+00> : vector<1024x128xf32>
    %dot_general3A_5 = tpu.matmul %get3A_1, %get3A_4, %dot_general3A {dimension_numbers = #tpu.dot_dimension_numbers<[1], [0], [0], [1], [0, 0, 1, 1], [], []>, precision = #tpu.contract_precision<fp32>, transpose_lhs_hint = false} : vector<1024x128xf32>, vector<128x128xf32>, vector<1024x128xf32> -> vector<1024x128xf32>
    %get3A_6 = arith.constant 0 : index
    %get3A_7 = arith.constant 0 : index
    %get3A_8 = vector.load %arg3[%get3A_6, %get3A_7] : memref<32x1024xf32, #tpu.memory_space<vmem>>, vector<32x1024xf32>
    %reduce_sum3A = arith.constant dense<0.000000e+00> : vector<1024xf32>
    %reduce_sum3A_9 = vector.multi_reduction <add>, %get3A_8, %reduce_sum3A [0] : vector<32x1024xf32> to vector<1024xf32>
    %broadcast_in_dim3A = vector.shape_cast %reduce_sum3A_9 : vector<1024xf32> to vector<1024x1xf32>
    %add3A = arith.constant 1.000000e+00 : f32
    %add3A_10 = vector.broadcast %add3A : f32 to vector<1024x1xf32>
    %add3A_11 = arith.addf %broadcast_in_dim3A, %add3A_10 : vector<1024x1xf32>
    %rsqrt3A = math.rsqrt %add3A_11 : vector<1024x1xf32>
    %mul3A = vector.broadcast %rsqrt3A : vector<1024x1xf32> to vector<1024x128xf32>
    %mul3A_12 = arith.mulf %dot_general3A_5, %mul3A : vector<1024x128xf32>
    %swap3A = arith.constant 0 : index
    %swap3A_13 = arith.constant 0 : index
    %swap3A_14 = vector.load %arg4[%swap3A, %swap3A_13] : memref<1024x128xf32, #tpu.memory_space<vmem>>, vector<1024x128xf32>
    tpu.vector_store %arg4[%swap3A, %swap3A_13], %mul3A_12 {strides = array<i32>} : memref<1024x128xf32, #tpu.memory_space<vmem>>, vector<1024x128xf32>,
    %div3A = vector.broadcast %add3A_11 : vector<1024x1xf32> to vector<1024x128xf32>
    %div3A_15 = arith.divf %dot_general3A_5, %div3A : vector<1024x128xf32>
    %swap3A_16 = arith.constant 0 : index
    %swap3A_17 = arith.constant 0 : index
    %swap3A_18 = vector.load %arg5[%swap3A_16, %swap3A_17] : memref<1024x128xf32, #tpu.memory_space<vmem>>, vector<1024x128xf32>
    tpu.vector_store %arg5[%swap3A_16, %swap3A_17], %div3A_15 {strides = array<i32>} : memref<1024x128xf32, #tpu.memory_space<vmem>>, vector<1024x128xf32>,
    return
  }
  func.func @transform_0(%arg0: i32) -> (i32, i32) {
    %c0_i32 = arith.constant 0 : i32
    %c0_i32_0 = arith.constant 0 : i32
    return %arg0, %c0_i32 : i32, i32
  }
  func.func @transform_1(%arg0: i32) -> (i32, i32) {
    %c0_i32 = arith.constant 0 : i32
    %c0_i32_0 = arith.constant 0 : i32
    %c0_i32_1 = arith.constant 0 : i32
    return %c0_i32, %c0_i32_0 : i32, i32
  }
  func.func @transform_2(%arg0: i32) -> (i32, i32) {
    %c0_i32 = arith.constant 0 : i32
    %c0_i32_0 = arith.constant 0 : i32
    return %c0_i32, %arg0 : i32, i32
  }
  func.func @transform_3(%arg0: i32) -> (i32, i32) {
    %c0_i32 = arith.constant 0 : i32
    %c0_i32_0 = arith.constant 0 : i32
    return %arg0, %c0_i32 : i32, i32
  }
  func.func @transform_4(%arg0: i32) -> (i32, i32) {
    %c0_i32 = arith.constant 0 : i32
    %c0_i32_0 = arith.constant 0 : i32
    return %arg0, %c0_i32 : i32, i32
  }
}

</mosaic_0001>

<sc_bundles>
// kernel: kernel.6.cloned.1.call-start
scs
__scs_entry_jumppad:
0x0: {  	(pc) =	sbr.rel $0x88, $3  }
0x1: {  	(tag) =	ssettag $0x0;
	lr =	simm.s32 $0x1  }
0x2: {  	[smem:$0x3F9E] =	sst lr;
	_ =	strace $0xD0000000  }
0x3: {  	_ = 	snop  }
0x4: {  	_ = 	snop  }
0x5: {  	_ = 	snop  }
0x6: {  	_ = 	snop  }
0x7: {  	_ = 	snop  }
__scs_overlays_trampoline_lowered:
0x8: {  	[smem:$0x3FAD] =	sst s0  }
0x9: {  	[smem:$0x3FAE] =	sst s1  }
0xa: {  	[smem:$0x3FAF] =	sst s2  }
0xb: {  	[smem:$0x3FB0] =	sst s3  }
0xc: {  	[smem:$0x3FB1] =	sst s4  }
0xd: {  	[smem:$0x3FB2] =	sst s5  }
0xe: {  	[smem:$0x3FB3] =	sst s6  }
0xf: {  	[smem:$0x3FB4] =	sst s7  }
0x10: {  	[smem:$0x3FB5] =	sst s8  }
0x11: {  	[smem:$0x3FB6] =	sst s9;
	s0 =	simm.s32 @!p0 $0x0  }
0x12: {  	s1 =	sld [smem:$0x3F9C];
	s0 =	simm.s32 @p0 $0x1  }
0x13: {  	[smem:$0x3FB7] =	sst s0;
	s0 =	simm.s32 @!p1 $0x0  }
0x14: {  	s2 =	sld [smem:$0x3F9B];
	s0 =	simm.s32 @p1 $0x1  }
0x15: {  	[smem:$0x3FB8] =	sst s0;
	s0 =	simm.s32 @!p2 $0x0  }
0x16: {  	s3 =	sld [smem:$0x3FDB];
	s0 =	simm.s32 @p2 $0x1  }
0x17: {  	s4 =	simm.s32 $0x1BF5;
	[smem:$0x3FBA] =	sst s0  }
0x18: {  	s0 =	sld [smem:$0x3F9D];
	_ =	swait.ge [sflag:s4], $0x0  }
0x19: {  	s7 =	sld [smem:$0x3F9E]  }
0x1a: {  	s8 =	sadd.s32 $0xFFFFE003, lr  }
0x1b: {  	s9 =	sadd.s32 $0xFFFFFEF7, lr;
	s5 =	simm.s32 $0xFFFFFFFF;
	p2 =	slt.u32 s8, $0xFFFFF086  }
0x1c: {  	p1 =	slt.u32 s9, $0xF7A;
	s5 =	simm.s32 @!p2 $0x0  }
0x1d: {  	s5 =	simm.s32 @p1 $0x1;
	p0 =	seq.s32 s7, s2  }
0x1e: {  	s7 =	smul.u32 @!p0 $0xF7A, s2;
	p2 =	seq.s32 @!p0 s5, $0x0  }
0x1f: {  	s9 =	smul.u32 $0xF7A, s1;
	s8 =	simm.s32 @!p0 $0x1BF5;
	p2 =	por !p2, p0  }
0x20: {  	[sflag:s8] =	ssyncset.s32 @!p0 $0xFFFFF086;
	s6 =	sadd.s32 @!p0 s3, s7;
	s7 =	simm.s32 @!p0 $0x108  }
0x21: {  	s3 =	sadd.s32 s3, s9;
	s6 =	sadd.s32 @!p0 $0x88, s6;
	s7 =	simm.s32 @p2 $0x1082  }
0x22: {  	[simem:s7], [sflag:s8] =	dma.local @!p0 [hbm:s6], $0xF7A  }
0x23: {  	s9 =	sor.u32 $0xD0000000, s2;
	s6 =	simm.s32 $0x108;
	_ =	swait.ge @!p0 [sflag:s8], $0x0  }
0x24: {  	s3 =	sadd.s32 $0x88, s3;
	s6 =	simm.s32 @!p1 $0x1082;
	[sflag:s4] =	ssyncset.s32 $0xFFFFF086  }
0x25: {  	[simem:s6], [sflag:s4] =	dma.local [hbm:s3], $0xF7A  }
0x26: {  	[smem:$0x3F9E] =	sst s1;
	(tag) =	ssettag s2;
	_ =	strace s9  }
0x27: {  	s1 =	sld [smem:$0x3FAE]  }
0x28: {  	s2 =	sld [smem:$0x3FAF]  }
0x29: {  	s4 =	sld [smem:$0x3FB1]  }
0x2a: {  	p0 =	seq.s32 s5, $0x0;
	s5 =	sld [smem:$0x3FB2]  }
0x2b: {  	s6 =	sld [smem:$0x3FB3]  }
0x2c: {  	s7 =	sld [smem:$0x3FB4]  }
0x2d: {  	s3 =	simm.s32 $0x108;
	s8 =	sld [smem:$0x3FB5]  }
0x2e: {  	s3 =	simm.s32 @!p0 $0x1082;
	s9 =	sld [smem:$0x3FB6]  }
0x2f: {  	lr =	sadd.s32 s0, s3;
	s0 =	sld [smem:$0x3FAD]  }
0x30: {  	s3 =	sld [smem:$0x3FB0]  }
0x31: {  	[smem:$0x3FB9] =	sst s10  }
0x32: {  	s10 =	sld [smem:$0x3FB7];
	_ =	sdelay $0x3  }
0x33: {  	p0 =	seq.s32 s10, $0x1;
	s10 =	sld [smem:$0x3FB9];
	_ =	sdelay $0x3  }
0x34: {  	[smem:$0x3FB9] =	sst s10  }
0x35: {  	s10 =	sld [smem:$0x3FB8];
	_ =	sdelay $0x3  }
0x36: {  	p1 =	seq.s32 s10, $0x1;
	s10 =	sld [smem:$0x3FB9];
	_ =	sdelay $0x3  }
0x37: {  	[smem:$0x3FB9] =	sst s10  }
0x38: {  	s10 =	sld [smem:$0x3FBA]  }
0x39: {  	_ = 	snop;
	(pc) =	sbr.ind lr, $3  }
0x3a: {  	_ = 	snop  }
0x3b: {  	_ = 	snop  }
0x3c: {  	p2 =	seq.s32 s10, $0x1;
	s10 =	sld [smem:$0x3FB9]  }
0x3d: {  	_ =	shalt  }
0x3e: {  	_ =	shalt  }
0x3f: {  	_ =	shalt  }
0x40: {  	_ =	shalt  }
0x41: {  	_ =	shalt  }
0x42: {  	_ =	shalt  }
0x43: {  	_ =	shalt  }
0x44: {  	_ =	shalt  }
0x45: {  	_ =	shalt  }
0x46: {  	_ =	shalt  }
0x47: {  	_ =	shalt  }
0x48: {  	_ =	shalt  }
0x49: {  	_ =	shalt  }
0x4a: {  	_ =	shalt  }
0x4b: {  	_ =	shalt  }
0x4c: {  	_ =	shalt  }
0x4d: {  	_ =	shalt  }
0x4e: {  	_ =	shalt  }
0x4f: {  	_ =	shalt  }
0x50: {  	_ =	shalt  }
0x51: {  	_ =	shalt  }
0x52: {  	_ =	shalt  }
0x53: {  	_ =	shalt  }
0x54: {  	_ =	shalt  }
0x55: {  	_ =	shalt  }
0x56: {  	_ =	shalt  }
0x57: {  	_ =	shalt  }
0x58: {  	_ =	shalt  }
0x59: {  	_ =	shalt  }
0x5a: {  	_ =	shalt  }
0x5b: {  	_ =	shalt  }
0x5c: {  	_ =	shalt  }
0x5d: {  	_ =	shalt  }
0x5e: {  	_ =	shalt  }
0x5f: {  	_ =	shalt  }
0x60: {  	_ =	shalt  }
0x61: {  	_ =	shalt  }
0x62: {  	_ =	shalt  }
0x63: {  	_ =	shalt  }
0x64: {  	_ =	shalt  }
0x65: {  	_ =	shalt  }
0x66: {  	_ =	shalt  }
0x67: {  	_ =	shalt  }
0x68: {  	_ =	shalt  }
0x69: {  	_ =	shalt  }
0x6a: {  	_ =	shalt  }
0x6b: {  	_ =	shalt  }
0x6c: {  	_ =	shalt  }
0x6d: {  	_ =	shalt  }
0x6e: {  	_ =	shalt  }
0x6f: {  	_ =	shalt  }
0x70: {  	_ =	shalt  }
0x71: {  	_ =	shalt  }
0x72: {  	_ =	shalt  }
0x73: {  	_ =	shalt  }
0x74: {  	_ =	shalt  }
0x75: {  	_ =	shalt  }
0x76: {  	_ =	shalt  }
0x77: {  	_ =	shalt  }
0x78: {  	_ =	shalt  }
0x79: {  	_ =	shalt  }
0x7a: {  	_ =	shalt  }
0x7b: {  	_ =	shalt  }
0x7c: {  	_ =	shalt  }
0x7d: {  	_ =	shalt  }
0x7e: {  	_ =	shalt  }
0x7f: {  	_ =	shalt  }
0x80: {  	_ =	shalt  }
0x81: {  	_ =	shalt  }
0x82: {  	_ =	shalt  }
0x83: {  	_ =	shalt  }
0x84: {  	_ =	shalt  }
0x85: {  	_ =	shalt  }
0x86: {  	_ =	shalt  }
0x87: {  	_ =	shalt  }
.Lfunc_end0:
.L_simem_size_0:
called_computation_lowered:
.L_overlay_start_0:
0x88: {  	s2 =	sld [smem:$0x3FD9]  }
0x89: {  	s3 =	sld [smem:$0x3FFE];
	_ =	sdelay $0x1  }
0x8a: {  	s1 =	srdreg.scid  }
0x8b: {  	s0 =	sand.u32 $0x1, s1  }
0x8c: {  	s16 =	sshll.u32 s0, $0xA;
	s2 =	sadd.s32 s3, s2  }
0x8d: {  	s2 =	sadd.s32 s2, s16  }
0x8e: {  	[smem:$0x3FC5] =	sst s2  }
0x8f: {  	_ = 	snop  }
0x90: {  	(tm) =	ssettm $0x1  }
0x91: {  	s17 =	sld [smem:$0x3FFB];
	_ =	sdelay $0x3  }
0x92: {  	_ =	strace s17  }
0x93: {  	s2 =	sld [smem:$0x3FFC];
	_ =	sdelay $0x3  }
0x94: {  	_ =	strace s2  }
0x95: {  	s2 =	sld [smem:$0x3FFD];
	_ =	sdelay $0x3  }
0x96: {  	_ =	strace s2  }
0x97: {  	_ =	strace $0x8FFFFFFF  }
0x98: {  	s18 =	sld [smem:$0x3FDB];
	_ =	sdelay $0x1  }
0x99: {  	s19 =	simm.s32 $_scs_section_size  }
0x9a: {  	s4 =	simm.s32 $_size__tile_overlayer_lowered;
	s5 =	simm.s32 $_tile_overlayer_lowered  }
0x9b: {  	s22 =	simm.s32 $0x1BFF;
	s21 =	sshll.u32 s5, $0x1;
	s2 =	sadd.s32 s19, s18  }
0x9c: {  	s6 =	simm.s32 $0x0;
	s20 =	sshll.u32 s4, $0x1;
	s4 =	sadd.s32 s21, s2  }
0x9d: {  	[timem:s6], [sflag:s22] =	dma.local [hbm:s4], s20  }
0x9e: {  	_ =	swait.ge [sflag:s22], s20  }
0x9f: {  	s3 =	ssub.s32 $0x0, s20;
	[sflag:s22] =	ssyncset.done $0x0  }
0xa0: {  	[sflag:s22] =	ssyncadd.s32 s3;
	_ =	sdelay $0x1  }
0xa1: {  	s23 =	simm.s32 $0x1B8B  }
0xa2: {  	_ =	swait.ge [sflag:s23], $0x1  }
0xa3: {  	[sflag:s23] =	ssyncset.done $0x0  }
0xa4: {  	s25 =	simm.s32 $0x1B8E;
	s24 =	sld [smem:$0x3FFE];
	[sflag:s23] =	ssyncadd.s32 $0xFFFFFFFF  }
0xa5: {  	s26 =	simm.s32 $execute0_lowered;
	[smem:$0x3FD2] =	sst s25  }
0xa6: {  	s4 =	sshll.u32 s26, $0x1;
	_ =	strace $0x80000046;
	[dreg:$0x1] =	wrdreg $0xFFFFFFFF  }
0xa7: {  	s28 =	simm.s32 $_size_execute0_lowered;
	s2 =	sadd.s32 s2, s4;
	[dreg:$0x0] =	wrdreg $0x0  }
0xa8: {  	s4 =	sshll.u32 s28, $0x1;
	[dreg:$0x2] =	wrdreg s2  }
0xa9: {  	[dreg:$0x3] =	wrdreg s4  }
0xaa: {  	[dreg:$0x4] =	wrdreg $0xC0  }
0xab: {  	_ =	task [dreg:s6], $0x5FFFF  }
0xac: {  	[dreg:$0x1] =	wrdreg $0xFFFFFFFF  }
0xad: {  	[dreg:$0x0] =	wrdreg $0x60  }
0xae: {  	[dreg:$0x2] =	wrdreg s24  }
0xaf: {  	[dreg:$0x3] =	wrdreg $0x9  }
0xb0: {  	_ =	task.clear_ibuf [dreg:s6], $0x4FFFF;
	_ =	strace $0x90000046  }
0xb1: {  	s29 =	simm.s32 $0x9;
	_ =	strace $0x80000048  }
0xb2: {  	_ =	swait.ge [sflag:s29], $0x1  }
0xb3: {  	[sflag:s29] =	ssyncadd.s32 $0xFFFFFFFF  }
0xb4: {  	_ =	strace $0x90000048  }
0xb5: {  	_ =	sfence  }
0xb6: {  	s30 =	sld [smem:$0x0];
	_ =	sdelay $0x2  }
0xb7: {  	s31 =	sshll.u32 s1, $0xD;
	s1 =	sshrl.u32 s1, $0x2  }
0xb8: {  	s3 =	sand.u32 $0x4000, s31;
	s1 =	sadd.s32 s1, s30  }
0xb9: {  	s0 =	sor.u32 s3, s0;
	s1 =	sshll.u32 s1, $0x11  }
0xba: {  	s0 =	sor.u32 s1, s0  }
0xbb: {  	s0 =	sadd.s32 $0x8F2B, s0  }
0xbc: {  	[sflag:s0] =	ssyncadd.remote.s32 $0x1  }
0xbd: {  	_ =	sfence.sel $0xFFFF  }
0xbe: {  	[dreg:$0x0] =	wrdreg $0xFFFFFFFF;
	(pc) =	sbr.abs _section_cstart, $3  }
0xbf: {  	[dreg:$0x1] =	wrdreg $0xFFFFFFFF  }
0xc0: {  	_ =	task.clear_ibuf [dreg:s6], $0x2FFFF;
	_ =	strace $0x9FFFFFFF  }
0xc1: {  	(tm) =	ssettm $0x7FFFFFFF  }
tec
execute0_lowered:
.L_overlay_start_1:
0x0: {  	(tag) =	ssettag $0x1  }
0x1: {  	s0 =	srdreg.scid  }
0x2: {  	s4 =	rddreg [dreg:$0x0];
	s2 =	simm.s32 $0x0;
	s3 =	sand.u32 $0x1, s0  }
0x3: {  	s8 =	simm.s32 $0x80;
	s0 =	stileid.u32;
	s1 =	sshll.u32 s3, $0x4  }
0x4: {  	s9 =	simm.s32 $0x400;
	s10 =	simm.s32 $0x2;
	s5 =	sor.u32 s0, s1  }
0x5: {  	s11 =	simm.s32 $0x0;
	[smem:$0x7FF] =	sst s2;
	s6 =	sshrl.u32 s5, $0x3  }
0x6: {  	s7 =	sshll.u32 s0, $0x7;
	s3 =	ssub.s32 $0x2, s3;
	s6 =	smul.u32 $0x14000, s6  }
0x7: {  	s1 =	rddreg [dreg:$0x1];
	s7 =	sand.u32 $0x380, s7;
	s5 =	smul.u32 $0x4F0, s5  }
0x8: {  	_ =	strace $0x80000047;
	s30 =	sshrl.u32 s3, $0x1;
	s6 =	sor.u32 s7, s6  }
0x9: {  	s31 =	ssub.s32 s3, s30;
	s5 =	sadd.s32 s5, s4;
	s6 =	sshrl.u32 s6, $0x3  }
0xa: {  	s3 =	sadd.s32 $0x1200, s5;
	s5 =	smax.u32 s31, $0x1;
	s4 =	sadd.s32 s6, s4  }
0xb: {  	v0 =	vimm.f32 $0.0e+00;
	v1 =	vimm.f32 $1.000000000e+00;
	s7 =	simm.s32 $0x2780;
	s6 =	simm.s32 $0x1;
	s4 =	sadd.s32 $0xB000, s4  }
.LBB2_1:
0xc: {  	[tilespmem:s2], [sflag:$0x1] =	stream.linear.gather [hbm4b:s3+s2], $0x2780, $0x38;
	[tilespmem:$0x4F80] =	vst v63  }
0xd: {  	s12 =	simm.s32 $0x40;
	s13 =	simm.s32 $0x0  }
.LBB2_2:
0xe: {  	p0 =	sne.s32 s12, $0x9FC0;
	[tilespmem:s13+$0x2780] =	vst v0;
	s13 =	smov.u32 s12;
	s12 =	sadd.s32 $0x40, s12  }
.Ltmp0:
0xf: {  	(pc) =	sbr.rel @p0 .LBB2_2-.Ltmp0, $2  }
0x10: {  	_ =	sdelay $0x2  }
0x11: {  	s13 =	sshra.s32 s13, $0x2  }
0x12: {  	[tilespmem:s13+$0x2780] =	vst v0  }
0x13: {  	_ =	swait.ge [sflag:s6], $0x2780  }
0x14: {  	[sflag:s6] =	ssyncset.done $0x0  }
0x15: {  	s12 =	simm.s32 $0x0;
	[sflag:s6] =	ssyncadd.s32 $0xFFFFD880  }
.LBB2_4:
0x16: {  	s13 =	sshra.s32 s12, $0x2  }
0x17: {  	v2 =	vld [tilespmem:s13+$0x0];
	_ =	sdelay $0x7  }
0x18: {  	[tilespmem:v2+s7+$0x0] =	vst.idx.add.f32.msk $0xffff, v1  }
0x19: {  	v2 =	vld [tilespmem:s13+$0x10];
	_ =	sdelay $0x7  }
0x1a: {  	[tilespmem:v2+s7+$0x0] =	vst.idx.add.f32.msk $0xffff, v1  }
0x1b: {  	v2 =	vld [tilespmem:s13+$0x20];
	_ =	sdelay $0x7  }
0x1c: {  	[tilespmem:v2+s7+$0x0] =	vst.idx.add.f32.msk $0xffff, v1  }
0x1d: {  	v2 =	vld [tilespmem:s13+$0x30];
	_ =	sdelay $0x7  }
0x1e: {  	[tilespmem:v2+s7+$0x0] =	vst.idx.add.f32.msk $0xffff, v1  }
0x1f: {  	v2 =	vld [tilespmem:s13+$0x40];
	_ =	sdelay $0x7  }
0x20: {  	[tilespmem:v2+s7+$0x0] =	vst.idx.add.f32.msk $0xffff, v1  }
0x21: {  	v2 =	vld [tilespmem:s13+$0x50];
	_ =	sdelay $0x7  }
0x22: {  	[tilespmem:v2+s7+$0x0] =	vst.idx.add.f32.msk $0xffff, v1  }
0x23: {  	v2 =	vld [tilespmem:s13+$0x60];
	_ =	sdelay $0x7  }
0x24: {  	[tilespmem:v2+s7+$0x0] =	vst.idx.add.f32.msk $0xffff, v1  }
0x25: {  	v2 =	vld [tilespmem:s13+$0x70];
	_ =	sdelay $0x2  }
0x26: {  	p0 =	sne.s32 s12, $0x9C00  }
.Ltmp1:
0x27: {  	_ = 	snop;
	(pc) =	sbr.rel @p0 .LBB2_4-.Ltmp1, $2  }
0x28: {  	_ =	sdelay $0x2  }
0x29: {  	s12 =	sadd.s32 $0x200, s12;
	[tilespmem:v2+s7+$0x0] =	vst.idx.add.f32.msk $0xffff, v1  }
0x2a: {  	s11 =	sadd.s32 $0x1, s11  }
0x2b: {  	p0 =	sne.s32 s11, s5  }
.Ltmp2:
0x2c: {  	_ = 	snop;
	(pc) =	sbr.rel @p0 .LBB2_1-.Ltmp2, $4  }
0x2d: {  	[hbm4b:s4+s8] =	stream.strided.scatter [tilespmem:s7], [sflag:$0x2], $0x2800, s9, s8, $0x38;
	[tilespmem:$0x4F80] =	vst v63  }
0x2e: {  	_ =	swait.ge [sflag:s10], $0x2800  }
0x2f: {  	[sflag:s10] =	ssyncset.done $0x0  }
0x30: {  	[sflag:s10] =	ssyncadd.s32 $0xFFFFD800  }
0x31: {  	_ =	sfence.sel $0x180000  }
0x32: {  	[bflag:$0x0] =	sbarrier.arrive $0xFFFF  }
0x33: {  	p0 =	sne.s32 s0, $0x0;
	_ =	strace $0x90000047  }
0x34: {  	s0 =	sadd.s32 @!p0 $0x100000, s1;
	[bflag:$0x2] =	sbarrier.arrive $0xFFFF  }
0x35: {  	[sflag:s0] =	ssyncadd.tile.s32 @!p0 $0x1;
	_ =	shalt  }
.Lfunc_end2:
_tile_overlayer_lowered:
.L_overlay_start_2:
0x36: {  	(tag) =	ssettag $0x2  }
0x37: {  	s0 =	rddreg [dreg:$0x0];
	s2 =	stileid.u32  }
0x38: {  	s1 =	rddreg [dreg:$0x1];
	p0 =	sne.s32 s2, $0x0  }
0x39: {  	s3 =	rddreg [dreg:$0x2];
	[bflag:$0x3] =	sbarrier.arrive $0xFFFF;
	s2 =	simm.s32 @!p0 $0x1C02  }
0x3a: {  	[timem:s3], [sflag:s2] =	dma.local @!p0 [hbm:s0], s1  }
0x3b: {  	s0 =	simm.s32 @!p0 $0x2  }
0x3c: {  	_ =	swait.ge @!p0 [sflag:s0], s1  }
0x3d: {  	s1 =	ssub.s32 @!p0 $0x0, s1;
	[sflag:s0] =	ssyncset.done @!p0 $0x0  }
0x3e: {  	[sflag:s0] =	ssyncadd.s32 @!p0 s1  }
0x3f: {  	[bflag:$0x3] =	sbarrier.arrive $0xFFFF  }
0x40: {  	_ =	shalt  }

// kernel: kernel.9.cloned.1.call-start
scs
__scs_entry_jumppad:
0x0: {  	(pc) =	sbr.rel $0x88, $3  }
0x1: {  	(tag) =	ssettag $0x0;
	lr =	simm.s32 $0x1  }
0x2: {  	[smem:$0x3F9E] =	sst lr;
	_ =	strace $0xD0000000  }
0x3: {  	_ = 	snop  }
0x4: {  	_ = 	snop  }
0x5: {  	_ = 	snop  }
0x6: {  	_ = 	snop  }
0x7: {  	_ = 	snop  }
__scs_overlays_trampoline_lowered:
0x8: {  	[smem:$0x3FAD] =	sst s0  }
0x9: {  	[smem:$0x3FAE] =	sst s1  }
0xa: {  	[smem:$0x3FAF] =	sst s2  }
0xb: {  	[smem:$0x3FB0] =	sst s3  }
0xc: {  	[smem:$0x3FB1] =	sst s4  }
0xd: {  	[smem:$0x3FB2] =	sst s5  }
0xe: {  	[smem:$0x3FB3] =	sst s6  }
0xf: {  	[smem:$0x3FB4] =	sst s7  }
0x10: {  	[smem:$0x3FB5] =	sst s8  }
0x11: {  	[smem:$0x3FB6] =	sst s9;
	s0 =	simm.s32 @!p0 $0x0  }
0x12: {  	s1 =	sld [smem:$0x3F9C];
	s0 =	simm.s32 @p0 $0x1  }
0x13: {  	[smem:$0x3FB7] =	sst s0;
	s0 =	simm.s32 @!p1 $0x0  }
0x14: {  	s2 =	sld [smem:$0x3F9B];
	s0 =	simm.s32 @p1 $0x1  }
0x15: {  	[smem:$0x3FB8] =	sst s0;
	s0 =	simm.s32 @!p2 $0x0  }
0x16: {  	s3 =	sld [smem:$0x3FDB];
	s0 =	simm.s32 @p2 $0x1  }
0x17: {  	s4 =	simm.s32 $0x1BF5;
	[smem:$0x3FBA] =	sst s0  }
0x18: {  	s0 =	sld [smem:$0x3F9D];
	_ =	swait.ge [sflag:s4], $0x0  }
0x19: {  	s7 =	sld [smem:$0x3F9E]  }
0x1a: {  	s8 =	sadd.s32 $0xFFFFE003, lr  }
0x1b: {  	s9 =	sadd.s32 $0xFFFFFEF7, lr;
	s5 =	simm.s32 $0xFFFFFFFF;
	p2 =	slt.u32 s8, $0xFFFFF086  }
0x1c: {  	p1 =	slt.u32 s9, $0xF7A;
	s5 =	simm.s32 @!p2 $0x0  }
0x1d: {  	s5 =	simm.s32 @p1 $0x1;
	p0 =	seq.s32 s7, s2  }
0x1e: {  	s7 =	smul.u32 @!p0 $0xF7A, s2;
	p2 =	seq.s32 @!p0 s5, $0x0  }
0x1f: {  	s9 =	smul.u32 $0xF7A, s1;
	s8 =	simm.s32 @!p0 $0x1BF5;
	p2 =	por !p2, p0  }
0x20: {  	[sflag:s8] =	ssyncset.s32 @!p0 $0xFFFFF086;
	s6 =	sadd.s32 @!p0 s3, s7;
	s7 =	simm.s32 @!p0 $0x108  }
0x21: {  	s3 =	sadd.s32 s3, s9;
	s6 =	sadd.s32 @!p0 $0x88, s6;
	s7 =	simm.s32 @p2 $0x1082  }
0x22: {  	[simem:s7], [sflag:s8] =	dma.local @!p0 [hbm:s6], $0xF7A  }
0x23: {  	s9 =	sor.u32 $0xD0000000, s2;
	s6 =	simm.s32 $0x108;
	_ =	swait.ge @!p0 [sflag:s8], $0x0  }
0x24: {  	s3 =	sadd.s32 $0x88, s3;
	s6 =	simm.s32 @!p1 $0x1082;
	[sflag:s4] =	ssyncset.s32 $0xFFFFF086  }
0x25: {  	[simem:s6], [sflag:s4] =	dma.local [hbm:s3], $0xF7A  }
0x26: {  	[smem:$0x3F9E] =	sst s1;
	(tag) =	ssettag s2;
	_ =	strace s9  }
0x27: {  	s1 =	sld [smem:$0x3FAE]  }
0x28: {  	s2 =	sld [smem:$0x3FAF]  }
0x29: {  	s4 =	sld [smem:$0x3FB1]  }
0x2a: {  	p0 =	seq.s32 s5, $0x0;
	s5 =	sld [smem:$0x3FB2]  }
0x2b: {  	s6 =	sld [smem:$0x3FB3]  }
0x2c: {  	s7 =	sld [smem:$0x3FB4]  }
0x2d: {  	s3 =	simm.s32 $0x108;
	s8 =	sld [smem:$0x3FB5]  }
0x2e: {  	s3 =	simm.s32 @!p0 $0x1082;
	s9 =	sld [smem:$0x3FB6]  }
0x2f: {  	lr =	sadd.s32 s0, s3;
	s0 =	sld [smem:$0x3FAD]  }
0x30: {  	s3 =	sld [smem:$0x3FB0]  }
0x31: {  	[smem:$0x3FB9] =	sst s10  }
0x32: {  	s10 =	sld [smem:$0x3FB7];
	_ =	sdelay $0x3  }
0x33: {  	p0 =	seq.s32 s10, $0x1;
	s10 =	sld [smem:$0x3FB9];
	_ =	sdelay $0x3  }
0x34: {  	[smem:$0x3FB9] =	sst s10  }
0x35: {  	s10 =	sld [smem:$0x3FB8];
	_ =	sdelay $0x3  }
0x36: {  	p1 =	seq.s32 s10, $0x1;
	s10 =	sld [smem:$0x3FB9];
	_ =	sdelay $0x3  }
0x37: {  	[smem:$0x3FB9] =	sst s10  }
0x38: {  	s10 =	sld [smem:$0x3FBA]  }
0x39: {  	_ = 	snop;
	(pc) =	sbr.ind lr, $3  }
0x3a: {  	_ = 	snop  }
0x3b: {  	_ = 	snop  }
0x3c: {  	p2 =	seq.s32 s10, $0x1;
	s10 =	sld [smem:$0x3FB9]  }
0x3d: {  	_ =	shalt  }
0x3e: {  	_ =	shalt  }
0x3f: {  	_ =	shalt  }
0x40: {  	_ =	shalt  }
0x41: {  	_ =	shalt  }
0x42: {  	_ =	shalt  }
0x43: {  	_ =	shalt  }
0x44: {  	_ =	shalt  }
0x45: {  	_ =	shalt  }
0x46: {  	_ =	shalt  }
0x47: {  	_ =	shalt  }
0x48: {  	_ =	shalt  }
0x49: {  	_ =	shalt  }
0x4a: {  	_ =	shalt  }
0x4b: {  	_ =	shalt  }
0x4c: {  	_ =	shalt  }
0x4d: {  	_ =	shalt  }
0x4e: {  	_ =	shalt  }
0x4f: {  	_ =	shalt  }
0x50: {  	_ =	shalt  }
0x51: {  	_ =	shalt  }
0x52: {  	_ =	shalt  }
0x53: {  	_ =	shalt  }
0x54: {  	_ =	shalt  }
0x55: {  	_ =	shalt  }
0x56: {  	_ =	shalt  }
0x57: {  	_ =	shalt  }
0x58: {  	_ =	shalt  }
0x59: {  	_ =	shalt  }
0x5a: {  	_ =	shalt  }
0x5b: {  	_ =	shalt  }
0x5c: {  	_ =	shalt  }
0x5d: {  	_ =	shalt  }
0x5e: {  	_ =	shalt  }
0x5f: {  	_ =	shalt  }
0x60: {  	_ =	shalt  }
0x61: {  	_ =	shalt  }
0x62: {  	_ =	shalt  }
0x63: {  	_ =	shalt  }
0x64: {  	_ =	shalt  }
0x65: {  	_ =	shalt  }
0x66: {  	_ =	shalt  }
0x67: {  	_ =	shalt  }
0x68: {  	_ =	shalt  }
0x69: {  	_ =	shalt  }
0x6a: {  	_ =	shalt  }
0x6b: {  	_ =	shalt  }
0x6c: {  	_ =	shalt  }
0x6d: {  	_ =	shalt  }
0x6e: {  	_ =	shalt  }
0x6f: {  	_ =	shalt  }
0x70: {  	_ =	shalt  }
0x71: {  	_ =	shalt  }
0x72: {  	_ =	shalt  }
0x73: {  	_ =	shalt  }
0x74: {  	_ =	shalt  }
0x75: {  	_ =	shalt  }
0x76: {  	_ =	shalt  }
0x77: {  	_ =	shalt  }
0x78: {  	_ =	shalt  }
0x79: {  	_ =	shalt  }
0x7a: {  	_ =	shalt  }
0x7b: {  	_ =	shalt  }
0x7c: {  	_ =	shalt  }
0x7d: {  	_ =	shalt  }
0x7e: {  	_ =	shalt  }
0x7f: {  	_ =	shalt  }
0x80: {  	_ =	shalt  }
0x81: {  	_ =	shalt  }
0x82: {  	_ =	shalt  }
0x83: {  	_ =	shalt  }
0x84: {  	_ =	shalt  }
0x85: {  	_ =	shalt  }
0x86: {  	_ =	shalt  }
0x87: {  	_ =	shalt  }
.Lfunc_end0:
.L_simem_size_0:
called_computation.1_lowered:
.L_overlay_start_0:
0x88: {  	s2 =	sld [smem:$0x3FD9]  }
0x89: {  	s3 =	sld [smem:$0x3FFE];
	_ =	sdelay $0x1  }
0x8a: {  	s1 =	srdreg.scid  }
0x8b: {  	s0 =	sand.u32 $0x1, s1  }
0x8c: {  	s17 =	sshll.u32 s0, $0xA;
	s2 =	sadd.s32 s3, s2  }
0x8d: {  	s2 =	sadd.s32 s2, s17  }
0x8e: {  	[smem:$0x3FC5] =	sst s2  }
0x8f: {  	_ = 	snop  }
0x90: {  	s2 =	sld [smem:$0x3FD0];
	(tm) =	ssettm $0x1  }
0x91: {  	s18 =	sld [smem:$0x3FFB];
	_ =	sdelay $0x3  }
0x92: {  	_ =	strace s18  }
0x93: {  	s3 =	sld [smem:$0x3FFC];
	_ =	sdelay $0x3  }
0x94: {  	_ =	strace s3  }
0x95: {  	s3 =	sld [smem:$0x3FFD];
	_ =	sdelay $0x3  }
0x96: {  	_ =	strace s3  }
0x97: {  	_ =	strace $0x8FFFFFFF  }
0x98: {  	s19 =	sld [smem:$0x3FDB];
	_ =	sdelay $0x1  }
0x99: {  	s4 =	simm.s32 $_scs_section_size  }
0x9a: {  	s5 =	simm.s32 $_size__tile_overlayer_lowered;
	s6 =	simm.s32 $_tile_overlayer_lowered  }
0x9b: {  	s22 =	simm.s32 $0x1BFF;
	s21 =	sshll.u32 s6, $0x1;
	s3 =	sadd.s32 s4, s19  }
0x9c: {  	s7 =	simm.s32 $0x0;
	s20 =	sshll.u32 s5, $0x1;
	s5 =	sadd.s32 s21, s3  }
0x9d: {  	[timem:s7], [sflag:s22] =	dma.local [hbm:s5], s20  }
0x9e: {  	_ =	swait.ge [sflag:s22], s20  }
0x9f: {  	s4 =	ssub.s32 $0x0, s20;
	[sflag:s22] =	ssyncset.done $0x0  }
0xa0: {  	[sflag:s22] =	ssyncadd.s32 s4;
	_ =	sdelay $0x1  }
0xa1: {  	s23 =	simm.s32 $0x1B8B  }
0xa2: {  	_ =	swait.ge [sflag:s23], $0x1  }
0xa3: {  	[sflag:s23] =	ssyncset.done $0x0  }
0xa4: {  	s25 =	simm.s32 $0x1B8E;
	s24 =	sld [smem:$0x3FFE];
	[sflag:s23] =	ssyncadd.s32 $0xFFFFFFFF  }
0xa5: {  	s26 =	simm.s32 $execute0_lowered;
	[smem:$0x3FD2] =	sst s25  }
0xa6: {  	s5 =	sshll.u32 s26, $0x1;
	_ =	strace $0x80000049;
	[dreg:$0x1] =	wrdreg $0xFFFFFFFF  }
0xa7: {  	s28 =	simm.s32 $_size_execute0_lowered;
	s3 =	sadd.s32 s3, s5;
	[dreg:$0x0] =	wrdreg $0x0  }
0xa8: {  	s5 =	sshll.u32 s28, $0x1;
	[dreg:$0x2] =	wrdreg s3  }
0xa9: {  	[dreg:$0x3] =	wrdreg s5  }
0xaa: {  	[dreg:$0x4] =	wrdreg $0xC0  }
0xab: {  	_ =	task [dreg:s7], $0x5FFFF  }
0xac: {  	[dreg:$0x1] =	wrdreg $0xFFFFFFFF  }
0xad: {  	[dreg:$0x0] =	wrdreg $0x60  }
0xae: {  	[dreg:$0x2] =	wrdreg s24  }
0xaf: {  	[dreg:$0x3] =	wrdreg s2  }
0xb0: {  	[dreg:$0x4] =	wrdreg $0xA8000  }
0xb1: {  	[dreg:$0x5] =	wrdreg $0x9  }
0xb2: {  	_ =	task.clear_ibuf [dreg:s7], $0x6FFFF;
	_ =	strace $0x90000049  }
0xb3: {  	s29 =	simm.s32 $0x9;
	_ =	strace $0x8000004B  }
0xb4: {  	_ =	swait.ge [sflag:s29], $0x1  }
0xb5: {  	[sflag:s29] =	ssyncadd.s32 $0xFFFFFFFF  }
0xb6: {  	_ =	strace $0x9000004B  }
0xb7: {  	_ =	sfence  }
0xb8: {  	s30 =	sld [smem:$0x0];
	_ =	sdelay $0x2  }
0xb9: {  	s31 =	sshll.u32 s1, $0xD;
	s1 =	sshrl.u32 s1, $0x2  }
0xba: {  	s3 =	sand.u32 $0x4000, s31;
	s1 =	sadd.s32 s1, s30  }
0xbb: {  	s0 =	sor.u32 s3, s0;
	s1 =	sshll.u32 s1, $0x11  }
0xbc: {  	s0 =	sor.u32 s1, s0  }
0xbd: {  	s0 =	sadd.s32 $0x8F2B, s0  }
0xbe: {  	[sflag:s0] =	ssyncadd.remote.s32 $0x1  }
0xbf: {  	_ =	sfence.sel $0xFFFF  }
0xc0: {  	[dreg:$0x0] =	wrdreg $0xFFFFFFFF;
	(pc) =	sbr.abs _section_cstart, $3  }
0xc1: {  	[dreg:$0x1] =	wrdreg $0xFFFFFFFF  }
0xc2: {  	_ =	task.clear_ibuf [dreg:s7], $0x2FFFF;
	_ =	strace $0x9FFFFFFF  }
0xc3: {  	(tm) =	ssettm $0x7FFFFFFF  }
tec
execute0_lowered:
.L_overlay_start_1:
0x0: {  	(tag) =	ssettag $0x1  }
0x1: {  	s6 =	rddreg [dreg:$0x0]  }
0x2: {  	s0 =	srdreg.scid;
	s12 =	rddreg [dreg:$0x1]  }
0x3: {  	s2 =	rddreg [dreg:$0x2];
	s3 =	simm.s32 $0x0;
	s17 =	simm.s32 $0x4  }
0x4: {  	s18 =	simm.s32 $0x80;
	s19 =	simm.s32 $0x400;
	s5 =	sand.u32 $0x1, s0  }
0x5: {  	s28 =	simm.s32 $0x2780;
	s0 =	stileid.u32;
	s9 =	smul.u32 $0x140000, s5  }
0x6: {  	[smem:$0x7FF] =	sst s3;
	s4 =	sadd.s32 $0x1F000, s6;
	s10 =	smul.u32 $0x14000, s0  }
0x7: {  	s1 =	sshll.u32 s5, $0x4;
	s21 =	smul.u32 $0x50000, s0;
	s22 =	ssub.s32 $0x2, s5  }
0x8: {  	s26 =	sshll.u32 s0, $0x7;
	s7 =	sor.u32 s0, s1;
	s1 =	rddreg [dreg:$0x3]  }
0x9: {  	_ =	strace $0x8000004A;
	s29 =	sshrl.u32 s22, $0x1;
	s30 =	sand.u32 $0x380, s26  }
0xa: {  	s26 =	simm.s32 $0x2700;
	s8 =	smul.u32 $0x2800, s7;
	s9 =	sadd.s32 s10, s9  }
0xb: {  	s23 =	sshrl.u32 s7, $0x3;
	s24 =	sshrl.u32 s21, $0x2;
	s15 =	ssub.s32 s22, s29  }
0xc: {  	s21 =	simm.s32 $0x1;
	s22 =	simm.s32 $0x2;
	s20 =	sshrl.u32 s9, $0x3  }
0xd: {  	s25 =	smul.u32 $0x14000, s23;
	s5 =	sadd.s32 s24, s2;
	s15 =	smax.u32 s15, $0x1  }
0xe: {  	s23 =	simm.s32 $0x6800;
	s24 =	simm.s32 $0x3;
	s8 =	sshrl.u32 s8, $0x3  }
0xf: {  	s14 =	sadd.s32 s20, s6;
	s7 =	sadd.s32 $0x8000, s5;
	s9 =	sadd.s32 $0x10000, s5  }
0x10: {  	s20 =	simm.s32 $0x1400;
	s13 =	sadd.s32 s8, s6;
	s6 =	sadd.s32 $0x4000, s5  }
0x11: {  	s31 =	sor.u32 s30, s25;
	s8 =	sadd.s32 $0xC000, s5;
	s14 =	sadd.s32 $0x47000, s14  }
0x12: {  	s25 =	simm.s32 $0x1380;
	s11 =	sadd.s32 $0xA000, s31;
	s10 =	sshrl.u32 s31, $0x3  }
0x13: {  	s16 =	sshrl.u32 s11, $0x3;
	s10 =	sadd.s32 s12, s10;
	s11 =	sadd.s32 $0x15000, s13  }
0x14: {  	v0 =	vimm.f32 $0.0e+00;
	s13 =	sadd.s32 $0x15280, s13;
	s12 =	sadd.s32 s12, s16;
	s16 =	simm.s32 $0x2800  }
.LBB2_1:
0x15: {  	s29 =	simm.s32 $0x0;
	s30 =	simm.s32 $0x200  }
.LBB2_2:
0x16: {  	p0 =	sne.s32 s30, $0xFE00;
	[tilespmem:s29+$0x2870] =	vst v0  }
0x17: {  	[tilespmem:s29+$0x2800] =	vst v0  }
0x18: {  	[tilespmem:s29+$0x2810] =	vst v0  }
.Ltmp0:
0x19: {  	[tilespmem:s29+$0x2820] =	vst v0;
	(pc) =	sbr.rel @p0 .LBB2_2-.Ltmp0, $4  }
0x1a: {  	[tilespmem:s29+$0x2830] =	vst v0  }
0x1b: {  	[tilespmem:s29+$0x2840] =	vst v0  }
0x1c: {  	[tilespmem:s29+$0x2850] =	vst v0  }
0x1d: {  	[tilespmem:s29+$0x2860] =	vst v0;
	s29 =	sshra.s32 s30, $0x2;
	s30 =	sadd.s32 $0x200, s30  }
0x1e: {  	[tilespmem:s29+$0x2870] =	vst v0  }
0x1f: {  	[tilespmem:s29+$0x2800] =	vst v0  }
0x20: {  	[tilespmem:s29+$0x2810] =	vst v0  }
0x21: {  	[tilespmem:s29+$0x2820] =	vst v0  }
0x22: {  	[tilespmem:s29+$0x2830] =	vst v0  }
0x23: {  	[tilespmem:s29+$0x2840] =	vst v0  }
0x24: {  	[tilespmem:s29+$0x2850] =	vst v0  }
0x25: {  	[tilespmem:s29+$0x2860] =	vst v0  }
0x26: {  	[spmem:s5] =	stream.linear.scatter [tilespmem:s16], [sflag:$0x4], $0x4000, $0x38;
	[tilespmem:$0x1E800] =	vst v63  }
0x27: {  	_ =	swait.ge [sflag:s17], $0x4000  }
0x28: {  	[sflag:s17] =	ssyncset.done $0x0  }
0x29: {  	[sflag:s17] =	ssyncadd.s32 $0xFFFFC000  }
0x2a: {  	[spmem:s6] =	stream.linear.scatter [tilespmem:s16], [sflag:$0x4], $0x4000, $0x38;
	[tilespmem:$0x1E800] =	vst v63  }
0x2b: {  	_ =	swait.ge [sflag:s17], $0x4000  }
0x2c: {  	[sflag:s17] =	ssyncset.done $0x0  }
0x2d: {  	[sflag:s17] =	ssyncadd.s32 $0xFFFFC000  }
0x2e: {  	[spmem:s7] =	stream.linear.scatter [tilespmem:s16], [sflag:$0x4], $0x4000, $0x38;
	[tilespmem:$0x1E800] =	vst v63  }
0x2f: {  	_ =	swait.ge [sflag:s17], $0x4000  }
0x30: {  	[sflag:s17] =	ssyncset.done $0x0  }
0x31: {  	[sflag:s17] =	ssyncadd.s32 $0xFFFFC000  }
0x32: {  	[spmem:s8] =	stream.linear.scatter [tilespmem:s16], [sflag:$0x4], $0x4000, $0x38;
	[tilespmem:$0x1E800] =	vst v63  }
0x33: {  	_ =	swait.ge [sflag:s17], $0x4000  }
0x34: {  	[sflag:s17] =	ssyncset.done $0x0  }
0x35: {  	[sflag:s17] =	ssyncadd.s32 $0xFFFFC000  }
0x36: {  	[spmem:s9] =	stream.linear.scatter [tilespmem:s16], [sflag:$0x4], $0x4000, $0x38;
	[tilespmem:$0x1E800] =	vst v63  }
0x37: {  	_ =	swait.ge [sflag:s17], $0x4000  }
0x38: {  	[sflag:s17] =	ssyncset.done $0x0  }
0x39: {  	[sflag:s17] =	ssyncadd.s32 $0xFFFFC000  }
0x3a: {  	s29 =	simm.s32 $0x0;
	[bflag:$0x0] =	sbarrier.arrive $0xFFFF  }
0x3b: {  	[tilespmem:s29], [sflag:$0x1] =	stream.strided.gather [hbm4b:s10+s18], $0x1400, s19, s18, $0x38;
	[tilespmem:$0x1E800] =	vst v63  }
0x3c: {  	_ = 	snop  }
0x3d: {  	[tilespmem:s20], [sflag:$0x1] =	stream.linear.gather [hbm4b:s11+s29], $0x1400, $0x38;
	[tilespmem:$0x1E800] =	vst v63  }
0x3e: {  	_ =	swait.ge [sflag:s21], $0x1400  }
0x3f: {  	[sflag:s21] =	ssyncset.done $0x0  }
0x40: {  	[sflag:s21] =	ssyncadd.s32 $0xFFFFEC00  }
0x41: {  	_ =	swait.ge [sflag:s21], $0x1400  }
0x42: {  	[sflag:s21] =	ssyncset.done $0x0  }
0x43: {  	[sflag:s21] =	ssyncadd.s32 $0xFFFFEC00  }
0x44: {  	[tilespmem:s16], [sflag:$0x2] =	stream.indirect.gather [hbm4b:s4+s18], $0x80, s29, s18, $0xb8;
	[tilespmem:$0x1E800] =	vst v63  }
0x45: {  	_ =	swait.ge [sflag:s22], $0x4000  }
0x46: {  	[sflag:s22] =	ssyncset.done $0x0  }
0x47: {  	s29 =	simm.s32 $0x80;
	[sflag:s22] =	ssyncadd.s32 $0xFFFFC000  }
0x48: {  	[tilespmem:s23], [sflag:$0x3] =	stream.indirect.gather [hbm4b:s4+s18], $0x80, s29, s18, $0xb8;
	[tilespmem:$0x1E800] =	vst v63  }
0x49: {  	s29 =	simm.s32 $0x1400  }
0x4a: {  	[spmem:s2] =	stream.indirect.scatter.add.f32 [tilespmem:s16], [sflag:$0x4], $0x80, s29, s18, $0xb8;
	[tilespmem:$0x1E800] =	vst v63  }
0x4b: {  	_ =	swait.ge [sflag:s17], $0x4000  }
0x4c: {  	[sflag:s17] =	ssyncset.done $0x0  }
0x4d: {  	[sflag:s17] =	ssyncadd.s32 $0xFFFFC000  }
0x4e: {  	_ =	swait.ge [sflag:s24], $0x4000  }
0x4f: {  	[sflag:s24] =	ssyncset.done $0x0  }
0x50: {  	s29 =	simm.s32 $0x100;
	[sflag:s24] =	ssyncadd.s32 $0xFFFFC000  }
0x51: {  	[tilespmem:s16], [sflag:$0x2] =	stream.indirect.gather [hbm4b:s4+s18], $0x80, s29, s18, $0xb8;
	[tilespmem:$0x1E800] =	vst v63  }
0x52: {  	s29 =	simm.s32 $0x1480  }
0x53: {  	[spmem:s2] =	stream.indirect.scatter.add.f32 [tilespmem:s23], [sflag:$0x4], $0x80, s29, s18, $0xb8;
	[tilespmem:$0x1E800] =	vst v63  }
0x54: {  	_ =	swait.ge [sflag:s17], $0x4000  }
0x55: {  	s29 =	simm.s32 $0x400;
	[sflag:s17] =	ssyncset.done $0x0  }
.LBB2_4:
0x56: {  	p0 =	sne.s32 s29, $0x4800  }
0x57: {  	[sflag:s17] =	ssyncadd.s32 $0xFFFFC000;
	s30 =	smov.u32 s29;
	s29 =	sadd.s32 $0x400, s29  }
0x58: {  	_ = 	snop  }
0x59: {  	_ =	swait.ge [sflag:s22], $0x4000  }
0x5a: {  	s30 =	sshra.s32 s30, $0x2;
	[sflag:s22] =	ssyncset.done $0x0  }
0x5b: {  	s31 =	sadd.s32 $0x80, s30;
	[sflag:s22] =	ssyncadd.s32 $0xFFFFC000  }
0x5c: {  	[tilespmem:s23], [sflag:$0x3] =	stream.indirect.gather [hbm4b:s4+s18], $0x80, s31, s18, $0xb8;
	[tilespmem:$0x1E800] =	vst v63  }
0x5d: {  	s31 =	sadd.s32 $0x1400, s30  }
0x5e: {  	[spmem:s2] =	stream.indirect.scatter.add.f32 [tilespmem:s16], [sflag:$0x4], $0x80, s31, s18, $0xb8;
	[tilespmem:$0x1E800] =	vst v63  }
0x5f: {  	_ =	swait.ge [sflag:s17], $0x4000  }
0x60: {  	[sflag:s17] =	ssyncset.done $0x0  }
0x61: {  	[sflag:s17] =	ssyncadd.s32 $0xFFFFC000  }
0x62: {  	_ =	swait.ge [sflag:s24], $0x4000  }
0x63: {  	[sflag:s24] =	ssyncset.done $0x0  }
0x64: {  	s31 =	sadd.s32 $0x100, s30;
	[sflag:s24] =	ssyncadd.s32 $0xFFFFC000  }
0x65: {  	[tilespmem:s16], [sflag:$0x2] =	stream.indirect.gather [hbm4b:s4+s18], $0x80, s31, s18, $0xb8;
	[tilespmem:$0x1E800] =	vst v63  }
.Ltmp1:
0x66: {  	_ = 	snop;
	(pc) =	sbr.rel @p0 .LBB2_4-.Ltmp1, $4  }
0x67: {  	s30 =	sadd.s32 $0x1480, s30  }
0x68: {  	[spmem:s2] =	stream.indirect.scatter.add.f32 [tilespmem:s23], [sflag:$0x4], $0x80, s30, s18, $0xb8;
	[tilespmem:$0x1E800] =	vst v63  }
0x69: {  	_ =	swait.ge [sflag:s17], $0x4000  }
0x6a: {  	[sflag:s17] =	ssyncset.done $0x0  }
0x6b: {  	[sflag:s17] =	ssyncadd.s32 $0xFFFFC000  }
0x6c: {  	_ =	swait.ge [sflag:s22], $0x4000  }
0x6d: {  	[sflag:s22] =	ssyncset.done $0x0  }
0x6e: {  	[sflag:s22] =	ssyncadd.s32 $0xFFFFC000  }
0x6f: {  	[tilespmem:s23], [sflag:$0x3] =	stream.indirect.gather [hbm4b:s4+s18], $0x80, s25, s18, $0xb8;
	[tilespmem:$0x1E800] =	vst v63  }
0x70: {  	_ = 	snop  }
0x71: {  	[spmem:s2] =	stream.indirect.scatter.add.f32 [tilespmem:s16], [sflag:$0x4], $0x80, s26, s18, $0xb8;
	[tilespmem:$0x1E800] =	vst v63  }
0x72: {  	_ =	swait.ge [sflag:s17], $0x4000  }
0x73: {  	[sflag:s17] =	ssyncset.done $0x0  }
0x74: {  	[sflag:s17] =	ssyncadd.s32 $0xFFFFC000  }
0x75: {  	_ =	swait.ge [sflag:s24], $0x4000  }
0x76: {  	[sflag:s24] =	ssyncset.done $0x0  }
0x77: {  	[sflag:s24] =	ssyncadd.s32 $0xFFFFC000  }
0x78: {  	[spmem:s2] =	stream.indirect.scatter.add.f32 [tilespmem:s23], [sflag:$0x4], $0x80, s28, s18, $0xb8;
	[tilespmem:$0x1E800] =	vst v63  }
0x79: {  	_ =	swait.ge [sflag:s17], $0x4000  }
0x7a: {  	[sflag:s17] =	ssyncset.done $0x0  }
0x7b: {  	s29 =	simm.s32 $0x0;
	[sflag:s17] =	ssyncadd.s32 $0xFFFFC000  }
0x7c: {  	[tilespmem:s29], [sflag:$0x1] =	stream.strided.gather [hbm4b:s12+s18], $0x1400, s19, s18, $0x38;
	[tilespmem:$0x1E800] =	vst v63  }
0x7d: {  	_ = 	snop  }
0x7e: {  	[tilespmem:s20], [sflag:$0x1] =	stream.linear.gather [hbm4b:s13+s29], $0x1400, $0x38;
	[tilespmem:$0x1E800] =	vst v63  }
0x7f: {  	_ =	swait.ge [sflag:s21], $0x1400  }
0x80: {  	[sflag:s21] =	ssyncset.done $0x0  }
0x81: {  	[sflag:s21] =	ssyncadd.s32 $0xFFFFEC00  }
0x82: {  	_ =	swait.ge [sflag:s21], $0x1400  }
0x83: {  	[sflag:s21] =	ssyncset.done $0x0  }
0x84: {  	[sflag:s21] =	ssyncadd.s32 $0xFFFFEC00  }
0x85: {  	[tilespmem:s16], [sflag:$0x2] =	stream.indirect.gather [hbm4b:s4+s18], $0x80, s29, s18, $0xb8;
	[tilespmem:$0x1E800] =	vst v63  }
0x86: {  	_ =	swait.ge [sflag:s22], $0x4000  }
0x87: {  	[sflag:s22] =	ssyncset.done $0x0  }
0x88: {  	s29 =	simm.s32 $0x80;
	[sflag:s22] =	ssyncadd.s32 $0xFFFFC000  }
0x89: {  	[tilespmem:s23], [sflag:$0x3] =	stream.indirect.gather [hbm4b:s4+s18], $0x80, s29, s18, $0xb8;
	[tilespmem:$0x1E800] =	vst v63  }
0x8a: {  	s29 =	simm.s32 $0x1400  }
0x8b: {  	[spmem:s2] =	stream.indirect.scatter.add.f32 [tilespmem:s16], [sflag:$0x4], $0x80, s29, s18, $0xb8;
	[tilespmem:$0x1E800] =	vst v63  }
0x8c: {  	_ =	swait.ge [sflag:s17], $0x4000  }
0x8d: {  	[sflag:s17] =	ssyncset.done $0x0  }
0x8e: {  	[sflag:s17] =	ssyncadd.s32 $0xFFFFC000  }
0x8f: {  	_ =	swait.ge [sflag:s24], $0x4000  }
0x90: {  	[sflag:s24] =	ssyncset.done $0x0  }
0x91: {  	s29 =	simm.s32 $0x100;
	[sflag:s24] =	ssyncadd.s32 $0xFFFFC000  }
0x92: {  	[tilespmem:s16], [sflag:$0x2] =	stream.indirect.gather [hbm4b:s4+s18], $0x80, s29, s18, $0xb8;
	[tilespmem:$0x1E800] =	vst v63  }
0x93: {  	s29 =	simm.s32 $0x1480  }
0x94: {  	[spmem:s2] =	stream.indirect.scatter.add.f32 [tilespmem:s23], [sflag:$0x4], $0x80, s29, s18, $0xb8;
	[tilespmem:$0x1E800] =	vst v63  }
0x95: {  	_ =	swait.ge [sflag:s17], $0x4000  }
0x96: {  	s29 =	simm.s32 $0x400;
	[sflag:s17] =	ssyncset.done $0x0  }
.LBB2_6:
0x97: {  	p0 =	sne.s32 s29, $0x4800  }
0x98: {  	[sflag:s17] =	ssyncadd.s32 $0xFFFFC000;
	s30 =	smov.u32 s29;
	s29 =	sadd.s32 $0x400, s29  }
0x99: {  	_ = 	snop  }
0x9a: {  	_ =	swait.ge [sflag:s22], $0x4000  }
0x9b: {  	s30 =	sshra.s32 s30, $0x2;
	[sflag:s22] =	ssyncset.done $0x0  }
0x9c: {  	s31 =	sadd.s32 $0x80, s30;
	[sflag:s22] =	ssyncadd.s32 $0xFFFFC000  }
0x9d: {  	[tilespmem:s23], [sflag:$0x3] =	stream.indirect.gather [hbm4b:s4+s18], $0x80, s31, s18, $0xb8;
	[tilespmem:$0x1E800] =	vst v63  }
0x9e: {  	s31 =	sadd.s32 $0x1400, s30  }
0x9f: {  	[spmem:s2] =	stream.indirect.scatter.add.f32 [tilespmem:s16], [sflag:$0x4], $0x80, s31, s18, $0xb8;
	[tilespmem:$0x1E800] =	vst v63  }
0xa0: {  	_ =	swait.ge [sflag:s17], $0x4000  }
0xa1: {  	[sflag:s17] =	ssyncset.done $0x0  }
0xa2: {  	[sflag:s17] =	ssyncadd.s32 $0xFFFFC000  }
0xa3: {  	_ =	swait.ge [sflag:s24], $0x4000  }
0xa4: {  	[sflag:s24] =	ssyncset.done $0x0  }
0xa5: {  	s31 =	sadd.s32 $0x100, s30;
	[sflag:s24] =	ssyncadd.s32 $0xFFFFC000  }
0xa6: {  	[tilespmem:s16], [sflag:$0x2] =	stream.indirect.gather [hbm4b:s4+s18], $0x80, s31, s18, $0xb8;
	[tilespmem:$0x1E800] =	vst v63  }
.Ltmp2:
0xa7: {  	_ = 	snop;
	(pc) =	sbr.rel @p0 .LBB2_6-.Ltmp2, $4  }
0xa8: {  	s30 =	sadd.s32 $0x1480, s30  }
0xa9: {  	[spmem:s2] =	stream.indirect.scatter.add.f32 [tilespmem:s23], [sflag:$0x4], $0x80, s30, s18, $0xb8;
	[tilespmem:$0x1E800] =	vst v63  }
0xaa: {  	_ =	swait.ge [sflag:s17], $0x4000  }
0xab: {  	[sflag:s17] =	ssyncset.done $0x0  }
0xac: {  	[sflag:s17] =	ssyncadd.s32 $0xFFFFC000  }
0xad: {  	_ =	swait.ge [sflag:s22], $0x4000  }
0xae: {  	[sflag:s22] =	ssyncset.done $0x0  }
0xaf: {  	[sflag:s22] =	ssyncadd.s32 $0xFFFFC000  }
0xb0: {  	[tilespmem:s23], [sflag:$0x3] =	stream.indirect.gather [hbm4b:s4+s18], $0x80, s25, s18, $0xb8;
	[tilespmem:$0x1E800] =	vst v63  }
0xb1: {  	_ = 	snop  }
0xb2: {  	[spmem:s2] =	stream.indirect.scatter.add.f32 [tilespmem:s16], [sflag:$0x4], $0x80, s26, s18, $0xb8;
	[tilespmem:$0x1E800] =	vst v63  }
0xb3: {  	_ =	swait.ge [sflag:s17], $0x4000  }
0xb4: {  	[sflag:s17] =	ssyncset.done $0x0  }
0xb5: {  	[sflag:s17] =	ssyncadd.s32 $0xFFFFC000  }
0xb6: {  	_ =	swait.ge [sflag:s24], $0x4000  }
0xb7: {  	[sflag:s24] =	ssyncset.done $0x0  }
0xb8: {  	[sflag:s24] =	ssyncadd.s32 $0xFFFFC000  }
0xb9: {  	[spmem:s2] =	stream.indirect.scatter.add.f32 [tilespmem:s23], [sflag:$0x4], $0x80, s28, s18, $0xb8;
	[tilespmem:$0x1E800] =	vst v63  }
0xba: {  	_ =	swait.ge [sflag:s17], $0x4000  }
0xbb: {  	s29 =	sshll.u32 s0, $0x6;
	s3 =	sadd.s32 $0x1, s3;
	[sflag:s17] =	ssyncset.done $0x0  }
0xbc: {  	s30 =	sshrl.u32 s5, $0x3;
	p0 =	sne.s32 s3, s15;
	[sflag:s17] =	ssyncadd.s32 $0xFFFFC000  }
.Ltmp3:
0xbd: {  	s29 =	sor.u32 $0x1C04, s29;
	[bflag:$0x0] =	sbarrier.arrive $0xFFFF;
	(pc) =	sbr.rel @p0 .LBB2_1-.Ltmp3, $4  }
0xbe: {  	[hbm:s14], [sflag:s29] =	dma.local [spmem:s30], $0x2800  }
0xbf: {  	_ =	swait.ge [sflag:s17], $0x2800  }
0xc0: {  	[sflag:s17] =	ssyncset.done $0x0  }
0xc1: {  	[sflag:s17] =	ssyncadd.s32 $0xFFFFD800  }
0xc2: {  	_ =	sfence.sel $0x180000  }
0xc3: {  	[bflag:$0x0] =	sbarrier.arrive $0xFFFF  }
0xc4: {  	p0 =	sne.s32 s0, $0x0;
	_ =	strace $0x9000004A  }
0xc5: {  	s0 =	sadd.s32 @!p0 $0x100000, s1;
	[bflag:$0x2] =	sbarrier.arrive $0xFFFF  }
0xc6: {  	[sflag:s0] =	ssyncadd.tile.s32 @!p0 $0x1;
	_ =	shalt  }
.Lfunc_end2:
_tile_overlayer_lowered:
.L_overlay_start_2:
0xc7: {  	(tag) =	ssettag $0x2  }
0xc8: {  	s0 =	rddreg [dreg:$0x0];
	s2 =	stileid.u32  }
0xc9: {  	s1 =	rddreg [dreg:$0x1];
	p0 =	sne.s32 s2, $0x0  }
0xca: {  	s3 =	rddreg [dreg:$0x2];
	[bflag:$0x3] =	sbarrier.arrive $0xFFFF;
	s2 =	simm.s32 @!p0 $0x1C04  }
0xcb: {  	[timem:s3], [sflag:s2] =	dma.local @!p0 [hbm:s0], s1  }
0xcc: {  	s0 =	simm.s32 @!p0 $0x4  }
0xcd: {  	_ =	swait.ge @!p0 [sflag:s0], s1  }
0xce: {  	s1 =	ssub.s32 @!p0 $0x0, s1;
	[sflag:s0] =	ssyncset.done @!p0 $0x0  }
0xcf: {  	[sflag:s0] =	ssyncadd.s32 @!p0 s1  }
0xd0: {  	[bflag:$0x3] =	sbarrier.arrive $0xFFFF  }
0xd1: {  	_ =	shalt  }

</sc_bundles>
